<compile_context>
chip_gen: v7x
topology: tpu7x:2x2x1
jax: 0.10.2.dev20260603
libtpu: 0.0.44.dev20260713+nightly
codegen_flags: <defaults>
</compile_context>

<pallas_src>
import functools

import jax
import jax.numpy as jnp
from jax import lax
from jax.experimental import pallas as pl
from jax.experimental.pallas import tpu as pltpu
from jax.experimental.pallas import tpu_sc as plsc

_B, _N, _S, _K = 16, 4096, 1024, 16
_CIN, _COUT = 64, 128
_EPS = 1e-5
_R = _B * _S * _K

_SBLK = 256
_GBLK = 128
_BIGI = 1 << 30



def _fps_body(x_ref, y_ref, z_ref, sx_ref, sy_ref, sz_ref, dmin_ref):
    x = x_ref[...].reshape(_B, _N)
    y = y_ref[...].reshape(_B, _N)
    z = z_ref[...].reshape(_B, _N)
    lane = lax.broadcasted_iota(jnp.int32, (_B, _N), 1)
    scol = lax.broadcasted_iota(jnp.int32, (_B, _S), 1)
    dmin_ref[...] = jnp.full((_B, _N), 1e10, jnp.float32)

    def step(i, carry):
        f, sx, sy, sz = carry
        hit = lane == f
        cx = jnp.sum(jnp.where(hit, x, 0.0), axis=1, keepdims=True)
        cy = jnp.sum(jnp.where(hit, y, 0.0), axis=1, keepdims=True)
        cz = jnp.sum(jnp.where(hit, z, 0.0), axis=1, keepdims=True)
        at_i = scol == i
        sx = jnp.where(at_i, cx, sx)
        sy = jnp.where(at_i, cy, sy)
        sz = jnp.where(at_i, cz, sz)
        px = jnp.minimum((x - cx) * (x - cx), 1e37)
        py = jnp.minimum((y - cy) * (y - cy), 1e37)
        pz = jnp.minimum((z - cz) * (z - cz), 1e37)
        d = (px + pz) + py
        dm = jnp.minimum(dmin_ref[...], d)
        dmin_ref[...] = dm
        m = jnp.max(dm, axis=1, keepdims=True)
        f = jnp.min(jnp.where(dm == m, lane, _BIGI), axis=1, keepdims=True)
        return f, sx, sy, sz

    f0 = jnp.zeros((_B, 1), jnp.int32)
    z0 = jnp.zeros((_B, _S), jnp.float32)
    _, sx, sy, sz = lax.fori_loop(0, _S, step, (f0, z0, z0, z0))
    sx_ref[...] = sx
    sy_ref[...] = sy
    sz_ref[...] = sz


def _fps(x, y, z):
    return pl.pallas_call(
        _fps_body,
        out_shape=[jax.ShapeDtypeStruct((_B, _S), jnp.float32)] * 3,
        scratch_shapes=[pltpu.VMEM((_B, _N), jnp.float32)],
    )(x, y, z)



def _knn_body(x_ref, y_ref, z_ref, nx_ref, out_ref, d_ref):
    b = pl.program_id(0)
    x = x_ref[0]
    y = y_ref[0]
    z = z_ref[0]
    sel = nx_ref[0]
    sx = sel[:, 0:1]
    sy = sel[:, 1:2]
    sz = sel[:, 2:3]
    xn = x * x + y * y + z * z
    sn = sx * sx + sy * sy + sz * sz
    bf = lambda v: v.astype(jnp.bfloat16).astype(jnp.float32)
    e = bf(sx) * bf(x) + bf(sy) * bf(y) + bf(sz) * bf(z)
    d_ref[...] = (-2.0 * e + sn) + xn
    lane = lax.broadcasted_iota(jnp.int32, (_SBLK, _N), 1)
    off = b * _N
    for k in range(_K):
        d = d_ref[...]
        m = jnp.min(d, axis=1, keepdims=True)
        idx = jnp.min(jnp.where(d == m, lane, _BIGI), axis=1, keepdims=True)
        out_ref[:, :, k : k + 1] = (idx + off)[None]
        d_ref[...] = jnp.where(lane == idx, 1e30, d)


def _knn(x, y, z, new_xyz):
    grid = (_B, _S // _SBLK)
    return pl.pallas_call(
        _knn_body,
        grid=grid,
        in_specs=[
            pl.BlockSpec((1, 1, _N), lambda b, s: (b, 0, 0)),
            pl.BlockSpec((1, 1, _N), lambda b, s: (b, 0, 0)),
            pl.BlockSpec((1, 1, _N), lambda b, s: (b, 0, 0)),
            pl.BlockSpec((1, _SBLK, 3), lambda b, s: (b, s, 0)),
        ],
        out_specs=pl.BlockSpec((1, _SBLK, _K), lambda b, s: (b, s, 0)),
        out_shape=jax.ShapeDtypeStruct((_B, _S, _K), jnp.int32),
        scratch_shapes=[pltpu.VMEM((_SBLK, _N), jnp.float32)],
    )(x, y, z, new_xyz)



def _gather_rows(idx, tbl):
    n_workers = 32
    per_w = _R // n_workers
    ch = 128
    n_ch = per_w // ch
    mesh = plsc.VectorSubcoreMesh(core_axis_name="c", subcore_axis_name="s")

    @functools.partial(
        pl.kernel,
        out_type=jax.ShapeDtypeStruct((_R, _CIN), jnp.float32),
        mesh=mesh,
        scratch_types=[
            pltpu.VMEM((per_w,), jnp.int32),
            pltpu.VMEM((ch, _CIN), jnp.float32),
            pltpu.VMEM((ch, _CIN), jnp.float32),
            pltpu.SemaphoreType.DMA,
            pltpu.SemaphoreType.DMA,
        ],
        compiler_params=pltpu.CompilerParams(use_tc_tiling_on_sc=False),
    )
    def gat(idx_hbm, tbl_hbm, out_hbm, idx_v, rows_a, rows_b, sem_a, sem_b):
        wid = lax.axis_index("s") * 2 + lax.axis_index("c")
        base0 = wid * per_w
        pltpu.sync_copy(idx_hbm.at[pl.ds(base0, per_w)], idx_v)

        def gather(c, buf, sem):
            return pltpu.async_copy(
                tbl_hbm.at[idx_v.at[pl.ds(c * ch, ch)]], buf, sem)

        gather(0, rows_a, sem_a)

        def pair(i, carry):
            c = 2 * i
            gather(c + 1, rows_b, sem_b)
            pltpu.make_async_copy(
                tbl_hbm.at[idx_v.at[pl.ds(c * ch, ch)]], rows_a, sem_a).wait()
            pltpu.sync_copy(rows_a, out_hbm.at[pl.ds(base0 + c * ch, ch)])

            @pl.when(i < n_ch // 2 - 1)
            def _():
                gather(c + 2, rows_a, sem_a)

            pltpu.make_async_copy(
                tbl_hbm.at[idx_v.at[pl.ds((c + 1) * ch, ch)]], rows_b,
                sem_b).wait()
            pltpu.sync_copy(rows_b, out_hbm.at[pl.ds(base0 + (c + 1) * ch, ch)])
            return carry

        lax.fori_loop(0, n_ch // 2, pair, 0)

    return gat(idx, tbl)



def _layer1(g_ref, nx_ref, w1_ref, b1_ref):
    g = g_ref[...].reshape(_GBLK * _K, _CIN)
    h = lax.dot_general(
        g, w1_ref[...], (((1,), (0,)), ((), ())),
        preferred_element_type=jnp.float32, precision=lax.Precision.HIGHEST)
    h = h + b1_ref[...]
    corr = lax.dot_general(
        nx_ref[...], w1_ref[0:3, :], (((1,), (0,)), ((), ())),
        preferred_element_type=jnp.float32, precision=lax.Precision.HIGHEST)
    h3 = h.reshape(_GBLK, _K, _COUT) - corr[:, None, :]
    return h3.reshape(_GBLK * _K, _COUT)


def _acc_stats(p, x, sum_ref, ssq_ref):
    s = jnp.sum(x, axis=0, keepdims=True)
    q = jnp.sum(x * x, axis=0, keepdims=True)

    @pl.when(p == 0)
    def _():
        sum_ref[...] = s
        ssq_ref[...] = q

    @pl.when(p != 0)
    def _():
        sum_ref[...] += s
        ssq_ref[...] += q


def _mlp1_body(g_ref, nx_ref, w1_ref, b1_ref, h1_ref, sum_ref, ssq_ref):
    h1 = _layer1(g_ref, nx_ref, w1_ref, b1_ref)
    h1_ref[...] = h1.reshape(_GBLK, _K, _COUT)
    _acc_stats(pl.program_id(0), h1, sum_ref, ssq_ref)


def _mlp1(g, nxyz, W1, b1):
    nstep = (_B * _S) // _GBLK
    vec = pl.BlockSpec((1, _COUT), lambda p: (0, 0))
    return pl.pallas_call(
        _mlp1_body,
        grid=(nstep,),
        in_specs=[
            pl.BlockSpec((_GBLK, _K, _CIN), lambda p: (p, 0, 0)),
            pl.BlockSpec((_GBLK, 3), lambda p: (p, 0)),
            pl.BlockSpec((_CIN, _COUT), lambda p: (0, 0)),
            vec,
        ],
        out_specs=[
            pl.BlockSpec((_GBLK, _K, _COUT), lambda p: (p, 0, 0)),
            vec, vec,
        ],
        out_shape=[
            jax.ShapeDtypeStruct((_B * _S, _K, _COUT), jnp.float32),
            jax.ShapeDtypeStruct((1, _COUT), jnp.float32),
            jax.ShapeDtypeStruct((1, _COUT), jnp.float32),
        ],
    )(g, nxyz, W1, b1)


def _bn_coeffs(sum_ref, ssq_ref, gamma_ref, beta_ref):
    rn = jnp.float32(1.0 / _R)
    mean = sum_ref[...] * rn
    var = ssq_ref[...] * rn - mean * mean
    scale = gamma_ref[...] * lax.rsqrt(var + _EPS)
    shift = beta_ref[...] - mean * scale
    return scale, shift


def _mlp2_body(h1_ref, s1_ref, q1_ref, w2_ref, b2_ref, g1_ref, be1_ref,
               h2_ref, sum_ref, ssq_ref):
    p = pl.program_id(0)
    scale, shift = _bn_coeffs(s1_ref, q1_ref, g1_ref, be1_ref)
    h1 = h1_ref[...].reshape(_GBLK * _K, _COUT)
    r = jnp.maximum(h1 * scale + shift, 0.0)
    h2 = lax.dot_general(
        r, w2_ref[...], (((1,), (0,)), ((), ())),
        preferred_element_type=jnp.float32, precision=lax.Precision.HIGHEST)
    h2 = h2 + b2_ref[...]
    h2_ref[...] = h2.reshape(_GBLK, _K, _COUT)
    _acc_stats(p, h2, sum_ref, ssq_ref)


def _mlp2(h1, s1, q1, W2, b2, gamma1, beta1):
    nstep = (_B * _S) // _GBLK
    vec = pl.BlockSpec((1, _COUT), lambda p: (0, 0))
    return pl.pallas_call(
        _mlp2_body,
        grid=(nstep,),
        in_specs=[
            pl.BlockSpec((_GBLK, _K, _COUT), lambda p: (p, 0, 0)),
            vec, vec,
            pl.BlockSpec((_COUT, _COUT), lambda p: (0, 0)),
            vec, vec, vec,
        ],
        out_specs=[
            pl.BlockSpec((_GBLK, _K, _COUT), lambda p: (p, 0, 0)),
            vec, vec,
        ],
        out_shape=[
            jax.ShapeDtypeStruct((_B * _S, _K, _COUT), jnp.float32),
            jax.ShapeDtypeStruct((1, _COUT), jnp.float32),
            jax.ShapeDtypeStruct((1, _COUT), jnp.float32),
        ],
    )(h1, s1, q1, W2, b2, gamma1, beta1)


def _mlp3_body(h2_ref, s2_ref, q2_ref, g2_ref, be2_ref, out_ref):
    scale, shift = _bn_coeffs(s2_ref, q2_ref, g2_ref, be2_ref)
    h2 = h2_ref[...]
    r = jnp.maximum(h2 * scale[None] + shift[None], 0.0)
    out_ref[...] = jnp.max(r, axis=1)


def _mlp3(h2, s2, q2, gamma2, beta2):
    nstep = (_B * _S) // _GBLK
    vec = pl.BlockSpec((1, _COUT), lambda p: (0, 0))
    return pl.pallas_call(
        _mlp3_body,
        grid=(nstep,),
        in_specs=[
            pl.BlockSpec((_GBLK, _K, _COUT), lambda p: (p, 0, 0)),
            vec, vec, vec, vec,
        ],
        out_specs=pl.BlockSpec((_GBLK, _COUT), lambda p: (p, 0)),
        out_shape=jax.ShapeDtypeStruct((_B * _S, _COUT), jnp.float32),
    )(h2, s2, q2, gamma2, beta2)



def kernel(xyz, points, W1, b1, gamma1, beta1, W2, b2, gamma2, beta2):
    x = xyz[:, :, 0].reshape(_B, 1, _N)
    y = xyz[:, :, 1].reshape(_B, 1, _N)
    z = xyz[:, :, 2].reshape(_B, 1, _N)

    sx, sy, sz = _fps(x, y, z)
    new_xyz = jnp.stack([sx, sy, sz], axis=-1)

    knn = _knn(x, y, z, new_xyz)

    tbl = jnp.concatenate([xyz, points], axis=-1).reshape(_B * _N, _CIN)
    g = _gather_rows(knn.reshape(_R), tbl).reshape(_B * _S, _K, _CIN)

    nxyz2 = new_xyz.reshape(_B * _S, 3)
    h1, s1, q1 = _mlp1(g, nxyz2, W1, b1[None, :])
    h2, s2, q2 = _mlp2(h1, s1, q1, W2, b2[None, :], gamma1[None, :],
                       beta1[None, :])
    out = _mlp3(h2, s2, q2, gamma2[None, :], beta2[None, :])
    return new_xyz, out.reshape(_B, _S, _COUT)

# --- scband reference (transcript-rebuilt; emitter-appended) ---
"""Pipeline reference for scband-fps-knn-pt-24300924961398 (READ-ONLY COPY).

The authoritative reference and input builder live on the scoring server;
editing this copy changes nothing except your own understanding.
"""

import jax, jax.numpy as jnp
import numpy as np

NPOINT = 1024
NSAMPLE = 16
EPS = 1e-5


def index_points(pts, idx):
    # pts: [B, N, C], idx: [B, ...] int -> [B, ..., C]
    B = pts.shape[0]
    flat = idx.reshape(B, -1)
    out = jnp.take_along_axis(pts, flat[:, :, None], axis=1)
    return out.reshape(idx.shape + (pts.shape[-1],))


def square_distance(src, dst):
    # src: [B, S, C], dst: [B, N, C] -> [B, S, N]
    d = -2.0 * jnp.einsum('bsc,bnc->bsn', src, dst)
    d = d + jnp.sum(src ** 2, axis=-1)[:, :, None]
    d = d + jnp.sum(dst ** 2, axis=-1)[:, None, :]
    return d


def farthest_point_sample(xyz, npoint):
    B, N, _ = xyz.shape

    def body(i, state):
        centroids, distance, farthest = state
        centroids = centroids.at[:, i].set(farthest)
        centroid = jnp.take_along_axis(xyz, farthest[:, None, None], axis=1)  # [B,1,3]
        dist = jnp.sum((xyz - centroid) ** 2, axis=-1)  # [B,N]
        distance = jnp.minimum(distance, dist)
        farthest = jnp.argmax(distance, axis=-1).astype(jnp.int32)
        return centroids, distance, farthest

    centroids = jnp.zeros((B, npoint), dtype=jnp.int32)
    distance = jnp.full((B, N), 1e10, dtype=jnp.float32)
    farthest = jnp.zeros((B,), dtype=jnp.int32)
    centroids, _, _ = jax.lax.fori_loop(0, npoint, body, (centroids, distance, farthest))
    return centroids


def batchnorm(x, gamma, beta):
    # x: [B, S, K, C]; BatchNorm2d over channel axis (last here), stats over B,S,K
    mean = jnp.mean(x, axis=(0, 1, 2), keepdims=True)
    var = jnp.mean((x - mean) ** 2, axis=(0, 1, 2), keepdims=True)
    return gamma * (x - mean) / jnp.sqrt(var + EPS) + beta


def setup_inputs(seed: int = 0):
    key = jax.random.key(seed)
    ks = jax.random.split(key, 8)
    B, N, D = 16, 4096, 61
    C_in, C_out = 64, 128
    xyz = jax.random.normal(ks[0], (B, N, 3), dtype=jnp.float32)
    points = jax.random.normal(ks[1], (B, N, D), dtype=jnp.float32)
    W1 = jax.random.normal(ks[2], (C_in, C_out), dtype=jnp.float32) * (1.0 / np.sqrt(C_in))
    b1 = jnp.zeros((C_out,), dtype=jnp.float32)
    gamma1 = jnp.ones((C_out,), dtype=jnp.float32)
    beta1 = jnp.zeros((C_out,), dtype=jnp.float32)
    W2 = jax.random.normal(ks[3], (C_out, C_out), dtype=jnp.float32) * (1.0 / np.sqrt(C_out))
    b2 = jnp.zeros((C_out,), dtype=jnp.float32)
    gamma2 = jnp.ones((C_out,), dtype=jnp.float32)
    beta2 = jnp.zeros((C_out,), dtype=jnp.float32)
    return {"xyz": xyz, "points": points, "W1": W1, "b1": b1, "gamma1": gamma1,
            "beta1": beta1, "W2": W2, "b2": b2, "gamma2": gamma2, "beta2": beta2}


def reference(xyz, points, W1, b1, gamma1, beta1, W2, b2, gamma2, beta2):
    # sample_and_group with knn=True (PointNetSetAbstraction, group_all=False)
    fps_idx = farthest_point_sample(xyz, NPOINT)                 # [B, S]
    new_xyz = index_points(xyz, fps_idx)                          # [B, S, 3]
    dists = square_distance(new_xyz, xyz)                         # [B, S, N]
    _, knn_idx = jax.lax.top_k(-dists, NSAMPLE)                   # [B, S, K]
    grouped_xyz = index_points(xyz, knn_idx)                      # [B, S, K, 3]
    grouped_xyz_norm = grouped_xyz - new_xyz[:, :, None, :]
    grouped_points = index_points(points, knn_idx)                # [B, S, K, D]
    new_points = jnp.concatenate([grouped_xyz_norm, grouped_points], axis=-1)  # [B,S,K,C_in]
    # shared MLP: Conv2d(1x1) + BN + ReLU, twice
    h = new_points @ W1 + b1
    h = jax.nn.relu(batchnorm(h, gamma1, beta1))
    h = h @ W2 + b2
    h = jax.nn.relu(batchnorm(h, gamma2, beta2))
    out = jnp.max(h, axis=2)                                      # max over nsample -> [B, S, C_out]
    return new_xyz, out

if __name__ == "__main__":
    import jax
    _d = setup_inputs()
    print(jax.jit(kernel)(*tuple(_d.values())))

</pallas_src>

<mosaic_0001>
#map = affine_map<(d0, d1) -> (0)>
#map1 = affine_map<(d0, d1) -> (0, 0)>
module attributes {stable_mosaic.version = 14 : i64} {
  func.func @gat(%arg0: i32, %arg1: i32, %arg2: memref<262144xi32, #tpu.memory_space<hbm>>, %arg3: memref<65536x64xf32, #tpu.memory_space<hbm>>, %arg4: memref<262144x64xf32, #tpu.memory_space<hbm>>, %arg5: memref<8192xi32, #tpu.memory_space<vmem>>, %arg6: memref<128x64xf32, #tpu.memory_space<vmem>>, %arg7: memref<128x64xf32, #tpu.memory_space<vmem>>, %arg8: memref<!tpu.dma_semaphore, #tpu.memory_space<semaphore_mem>>, %arg9: memref<!tpu.dma_semaphore, #tpu.memory_space<semaphore_mem>>) attributes {dimension_semantics = [#tpu.dimension_semantics<core_parallel>, #tpu.dimension_semantics<subcore_parallel>], iteration_bounds = array<i64: 2, 16>, scalar_prefetch = 0 : i64, scratch_operands = 5 : i64, tpu.core_type = #tpu.core_type<sc_vector_subcore>, window_params = [{transform_indices = #map}, {transform_indices = #map1}, {transform_indices = #map1}]} {
    %mul3A = arith.constant 2 : i32
    %mul3A_0 = arith.muli %arg1, %mul3A : i32
    %add3A = arith.addi %mul3A_0, %arg0 : i32
    %mul3A_1 = arith.constant 8192 : i32
    %mul3A_2 = arith.muli %add3A, %mul3A_1 : i32
    "tpu.region"() ({
      %run_scoped3A = tpu.sem_alloc : memref<!tpu.dma_semaphore, #tpu.memory_space<semaphore_mem>>
      %dma_start3A_12 = tpu.memref_slice %arg2[%mul3A_2] : memref<262144xi32, #tpu.memory_space<hbm>> -> memref<8192xi32, #tpu.memory_space<hbm>>
      %dma_start3A_13 = tpu.memref_slice %arg2[%mul3A_2] : memref<262144xi32, #tpu.memory_space<hbm>> -> memref<8192xi32, #tpu.memory_space<hbm>>
      tpu.enqueue_dma source(%dma_start3A_13 : memref<8192xi32, #tpu.memory_space<hbm>>) target(%arg5 : memref<8192xi32, #tpu.memory_space<vmem>>) target_semaphore(%run_scoped3A : memref<!tpu.dma_semaphore, #tpu.memory_space<semaphore_mem>>)
      %dma_wait3A = tpu.memref_slice %arg2[%mul3A_2] : memref<262144xi32, #tpu.memory_space<hbm>> -> memref<8192xi32, #tpu.memory_space<hbm>>
      %dma_wait3A_14 = tpu.memref_slice %arg2[%mul3A_2] : memref<262144xi32, #tpu.memory_space<hbm>> -> memref<8192xi32, #tpu.memory_space<hbm>>
      tpu.wait_dma2 semaphore(%run_scoped3A : memref<!tpu.dma_semaphore, #tpu.memory_space<semaphore_mem>>) src(%dma_wait3A_14 : memref<8192xi32, #tpu.memory_space<hbm>>) dst(%arg5 : memref<8192xi32, #tpu.memory_space<vmem>>)
      tpu.yield
    }) : () -> ()
    %dma_start3A = arith.constant 0 : i32
    %dma_start3A_3 = tpu.memref_slice %arg5[%dma_start3A] : memref<8192xi32, #tpu.memory_space<vmem>> -> memref<128xi32, #tpu.memory_space<vmem>>
    %dma_start3A_4 = arith.constant 0 : i32
    %dma_start3A_5 = arith.constant 0 : i32
    %dma_start3A_6 = tpu.memref_slice %arg3[%dma_start3A_4, %dma_start3A_5] : memref<65536x64xf32, #tpu.memory_space<hbm>> -> memref<65536x64xf32, #tpu.memory_space<hbm>>
    tpu.enqueue_indirect_dma source(%dma_start3A_6 : memref<65536x64xf32, #tpu.memory_space<hbm>>) target(%arg6 : memref<128x64xf32, #tpu.memory_space<vmem>>) offsets(%dma_start3A_3 : memref<128xi32, #tpu.memory_space<vmem>>) semaphore(%arg8 : memref<!tpu.dma_semaphore, #tpu.memory_space<semaphore_mem>>)
    %scan3A = arith.constant 0 : i32
    %scan3A_7 = arith.constant 0 : i32
    %scan3A_8 = arith.constant 32 : i32
    %scan3A_9 = arith.addi %scan3A_7, %scan3A_8 : i32
    %scan3A_10 = arith.constant 1 : i32
    scf.for %scan3A_12 = %scan3A_7 to %scan3A_9 step %scan3A_10  : i32 {
      %mul3A_13 = arith.constant 2 : i32
      %mul3A_14 = arith.muli %mul3A_13, %scan3A_12 : i32
      %add3A_15 = arith.constant 1 : i32
      %add3A_16 = arith.addi %mul3A_14, %add3A_15 : i32
      %mul3A_17 = arith.constant 128 : i32
      %mul3A_18 = arith.muli %add3A_16, %mul3A_17 : i32
      %dma_start3A_19 = tpu.memref_slice %arg5[%mul3A_18] : memref<8192xi32, #tpu.memory_space<vmem>> -> memref<128xi32, #tpu.memory_space<vmem>>
      %dma_start3A_20 = arith.constant 0 : i32
      %dma_start3A_21 = arith.constant 0 : i32
      %dma_start3A_22 = tpu.memref_slice %arg3[%dma_start3A_20, %dma_start3A_21] : memref<65536x64xf32, #tpu.memory_space<hbm>> -> memref<65536x64xf32, #tpu.memory_space<hbm>>
      tpu.enqueue_indirect_dma source(%dma_start3A_22 : memref<65536x64xf32, #tpu.memory_space<hbm>>) target(%arg7 : memref<128x64xf32, #tpu.memory_space<vmem>>) offsets(%dma_start3A_19 : memref<128xi32, #tpu.memory_space<vmem>>) semaphore(%arg9 : memref<!tpu.dma_semaphore, #tpu.memory_space<semaphore_mem>>)
      %mul3A_23 = arith.constant 128 : i32
      %mul3A_24 = arith.muli %mul3A_14, %mul3A_23 : i32
      %dma_wait3A = tpu.memref_slice %arg5[%mul3A_24] : memref<8192xi32, #tpu.memory_space<vmem>> -> memref<128xi32, #tpu.memory_space<vmem>>
      %dma_wait3A_25 = arith.constant 0 : i32
      %dma_wait3A_26 = arith.constant 0 : i32
      %dma_wait3A_27 = tpu.memref_slice %arg3[%dma_wait3A_25, %dma_wait3A_26] : memref<65536x64xf32, #tpu.memory_space<hbm>> -> memref<65536x64xf32, #tpu.memory_space<hbm>>
      tpu.wait_indirect_dma semaphore(%arg8 : memref<!tpu.dma_semaphore, #tpu.memory_space<semaphore_mem>>) src(%dma_wait3A_27 : memref<65536x64xf32, #tpu.memory_space<hbm>>) dst(%arg6 : memref<128x64xf32, #tpu.memory_space<vmem>>)
      %mul3A_28 = arith.constant 128 : i32
      %mul3A_29 = arith.muli %mul3A_14, %mul3A_28 : i32
      %add3A_30 = arith.addi %mul3A_2, %mul3A_29 : i32
      "tpu.region"() ({
        %run_scoped3A = tpu.sem_alloc : memref<!tpu.dma_semaphore, #tpu.memory_space<semaphore_mem>>
        %dma_start3A_46 = arith.constant 0 : i32
        %dma_start3A_47 = tpu.memref_slice %arg4[%add3A_30, %dma_start3A_46] : memref<262144x64xf32, #tpu.memory_space<hbm>> -> memref<128x64xf32, #tpu.memory_space<hbm>>
        %dma_start3A_48 = arith.constant 0 : i32
        %dma_start3A_49 = tpu.memref_slice %arg4[%add3A_30, %dma_start3A_48] : memref<262144x64xf32, #tpu.memory_space<hbm>> -> memref<128x64xf32, #tpu.memory_space<hbm>>
        tpu.enqueue_dma source(%arg6 : memref<128x64xf32, #tpu.memory_space<vmem>>) target(%dma_start3A_49 : memref<128x64xf32, #tpu.memory_space<hbm>>) target_semaphore(%run_scoped3A : memref<!tpu.dma_semaphore, #tpu.memory_space<semaphore_mem>>)
        %dma_wait3A_50 = arith.constant 0 : i32
        %dma_wait3A_51 = tpu.memref_slice %arg4[%add3A_30, %dma_wait3A_50] : memref<262144x64xf32, #tpu.memory_space<hbm>> -> memref<128x64xf32, #tpu.memory_space<hbm>>
        %dma_wait3A_52 = arith.constant 0 : i32
        %dma_wait3A_53 = tpu.memref_slice %arg4[%add3A_30, %dma_wait3A_52] : memref<262144x64xf32, #tpu.memory_space<hbm>> -> memref<128x64xf32, #tpu.memory_space<hbm>>
        tpu.wait_dma2 semaphore(%run_scoped3A : memref<!tpu.dma_semaphore, #tpu.memory_space<semaphore_mem>>) src(%arg6 : memref<128x64xf32, #tpu.memory_space<vmem>>) dst(%dma_wait3A_53 : memref<128x64xf32, #tpu.memory_space<hbm>>)
        tpu.yield
      }) : () -> ()
      %lt3A = arith.constant 31 : i32
      %lt3A_31 = arith.cmpi slt, %scan3A_12, %lt3A : i32
      %convert_element_type3A = arith.extui %lt3A_31 : i1 to i32
      %cond3A = arith.constant 0 : i32
      %cond3A_32 = arith.cmpi ne, %convert_element_type3A, %cond3A : i32
      scf.if %cond3A_32 {
        %add3A_46 = arith.constant 2 : i32
        %add3A_47 = arith.addi %mul3A_14, %add3A_46 : i32
        %mul3A_48 = arith.constant 128 : i32
        %mul3A_49 = arith.muli %add3A_47, %mul3A_48 : i32
        %dma_start3A_50 = tpu.memref_slice %arg5[%mul3A_49] : memref<8192xi32, #tpu.memory_space<vmem>> -> memref<128xi32, #tpu.memory_space<vmem>>
        %dma_start3A_51 = arith.constant 0 : i32
        %dma_start3A_52 = arith.constant 0 : i32
        %dma_start3A_53 = tpu.memref_slice %arg3[%dma_start3A_51, %dma_start3A_52] : memref<65536x64xf32, #tpu.memory_space<hbm>> -> memref<65536x64xf32, #tpu.memory_space<hbm>>
        tpu.enqueue_indirect_dma source(%dma_start3A_53 : memref<65536x64xf32, #tpu.memory_space<hbm>>) target(%arg6 : memref<128x64xf32, #tpu.memory_space<vmem>>) offsets(%dma_start3A_50 : memref<128xi32, #tpu.memory_space<vmem>>) semaphore(%arg8 : memref<!tpu.dma_semaphore, #tpu.memory_space<semaphore_mem>>)
      } else {
      }
      %add3A_33 = arith.constant 1 : i32
      %add3A_34 = arith.addi %mul3A_14, %add3A_33 : i32
      %mul3A_35 = arith.constant 128 : i32
      %mul3A_36 = arith.muli %add3A_34, %mul3A_35 : i32
      %dma_wait3A_37 = tpu.memref_slice %arg5[%mul3A_36] : memref<8192xi32, #tpu.memory_space<vmem>> -> memref<128xi32, #tpu.memory_space<vmem>>
      %dma_wait3A_38 = arith.constant 0 : i32
      %dma_wait3A_39 = arith.constant 0 : i32
      %dma_wait3A_40 = tpu.memref_slice %arg3[%dma_wait3A_38, %dma_wait3A_39] : memref<65536x64xf32, #tpu.memory_space<hbm>> -> memref<65536x64xf32, #tpu.memory_space<hbm>>
      tpu.wait_indirect_dma semaphore(%arg9 : memref<!tpu.dma_semaphore, #tpu.memory_space<semaphore_mem>>) src(%dma_wait3A_40 : memref<65536x64xf32, #tpu.memory_space<hbm>>) dst(%arg7 : memref<128x64xf32, #tpu.memory_space<vmem>>)
      %add3A_41 = arith.constant 1 : i32
      %add3A_42 = arith.addi %mul3A_14, %add3A_41 : i32
      %mul3A_43 = arith.constant 128 : i32
      %mul3A_44 = arith.muli %add3A_42, %mul3A_43 : i32
      %add3A_45 = arith.addi %mul3A_2, %mul3A_44 : i32
      "tpu.region"() ({
        %run_scoped3A = tpu.sem_alloc : memref<!tpu.dma_semaphore, #tpu.memory_space<semaphore_mem>>
        %dma_start3A_46 = arith.constant 0 : i32
        %dma_start3A_47 = tpu.memref_slice %arg4[%add3A_45, %dma_start3A_46] : memref<262144x64xf32, #tpu.memory_space<hbm>> -> memref<128x64xf32, #tpu.memory_space<hbm>>
        %dma_start3A_48 = arith.constant 0 : i32
        %dma_start3A_49 = tpu.memref_slice %arg4[%add3A_45, %dma_start3A_48] : memref<262144x64xf32, #tpu.memory_space<hbm>> -> memref<128x64xf32, #tpu.memory_space<hbm>>
        tpu.enqueue_dma source(%arg7 : memref<128x64xf32, #tpu.memory_space<vmem>>) target(%dma_start3A_49 : memref<128x64xf32, #tpu.memory_space<hbm>>) target_semaphore(%run_scoped3A : memref<!tpu.dma_semaphore, #tpu.memory_space<semaphore_mem>>)
        %dma_wait3A_50 = arith.constant 0 : i32
        %dma_wait3A_51 = tpu.memref_slice %arg4[%add3A_45, %dma_wait3A_50] : memref<262144x64xf32, #tpu.memory_space<hbm>> -> memref<128x64xf32, #tpu.memory_space<hbm>>
        %dma_wait3A_52 = arith.constant 0 : i32
        %dma_wait3A_53 = tpu.memref_slice %arg4[%add3A_45, %dma_wait3A_52] : memref<262144x64xf32, #tpu.memory_space<hbm>> -> memref<128x64xf32, #tpu.memory_space<hbm>>
        tpu.wait_dma2 semaphore(%run_scoped3A : memref<!tpu.dma_semaphore, #tpu.memory_space<semaphore_mem>>) src(%arg7 : memref<128x64xf32, #tpu.memory_space<vmem>>) dst(%dma_wait3A_53 : memref<128x64xf32, #tpu.memory_space<hbm>>)
        tpu.yield
      }) : () -> ()
    }
    %scan3A_11 = arith.constant 32 : i32
    return
  }
}

module attributes {stable_mosaic.version = 14 : i64} {
  func.func @_fps_body(%arg0: memref<16x1x4096xf32, #tpu.memory_space<vmem>>, %arg1: memref<16x1x4096xf32, #tpu.memory_space<vmem>>, %arg2: memref<16x1x4096xf32, #tpu.memory_space<vmem>>, %arg3: memref<16x1024xf32, #tpu.memory_space<vmem>>, %arg4: memref<16x1024xf32, #tpu.memory_space<vmem>>, %arg5: memref<16x1024xf32, #tpu.memory_space<vmem>>, %arg6: memref<16x4096xf32, #tpu.memory_space<vmem>>) attributes {dimension_semantics = [], scalar_prefetch = 0 : i64, scratch_operands = 1 : i64, tpu.core_type = #tpu.core_type<tc>} {
    %get3A = arith.constant 0 : index
    %get3A_0 = arith.constant 0 : index
    %get3A_1 = arith.constant 0 : index
    %get3A_2 = vector.load %arg0[%get3A, %get3A_0, %get3A_1] : memref<16x1x4096xf32, #tpu.memory_space<vmem>>, vector<16x1x4096xf32>
    %reshape3A = vector.shape_cast %get3A_2 : vector<16x1x4096xf32> to vector<16x4096xf32>
    %get3A_3 = arith.constant 0 : index
    %get3A_4 = arith.constant 0 : index
    %get3A_5 = arith.constant 0 : index
    %get3A_6 = vector.load %arg1[%get3A_3, %get3A_4, %get3A_5] : memref<16x1x4096xf32, #tpu.memory_space<vmem>>, vector<16x1x4096xf32>
    %reshape3A_7 = vector.shape_cast %get3A_6 : vector<16x1x4096xf32> to vector<16x4096xf32>
    %get3A_8 = arith.constant 0 : index
    %get3A_9 = arith.constant 0 : index
    %get3A_10 = arith.constant 0 : index
    %get3A_11 = vector.load %arg2[%get3A_8, %get3A_9, %get3A_10] : memref<16x1x4096xf32, #tpu.memory_space<vmem>>, vector<16x1x4096xf32>
    %reshape3A_12 = vector.shape_cast %get3A_11 : vector<16x1x4096xf32> to vector<16x4096xf32>
    %iota3A = tpu.iota {dimensions = array<i32: 1>} : vector<16x4096xi32>
    %iota3A_13 = tpu.iota {dimensions = array<i32: 1>} : vector<16x1024xi32>
    %broadcast_in_dim3A = arith.constant 1.000000e+10 : f32
    %broadcast_in_dim3A_14 = vector.broadcast %broadcast_in_dim3A : f32 to vector<16x4096xf32>
    %swap3A = arith.constant 0 : index
    %swap3A_15 = arith.constant 0 : index
    %swap3A_16 = vector.load %arg6[%swap3A, %swap3A_15] : memref<16x4096xf32, #tpu.memory_space<vmem>>, vector<16x4096xf32>
    tpu.vector_store %arg6[%swap3A, %swap3A_15], %broadcast_in_dim3A_14 {strides = array<i32>} : memref<16x4096xf32, #tpu.memory_space<vmem>>, vector<16x4096xf32>,
    %broadcast_in_dim3A_17 = arith.constant 0 : i32
    %broadcast_in_dim3A_18 = vector.broadcast %broadcast_in_dim3A_17 : i32 to vector<16x1xi32>
    %broadcast_in_dim3A_19 = arith.constant 0.000000e+00 : f32
    %broadcast_in_dim3A_20 = vector.broadcast %broadcast_in_dim3A_19 : f32 to vector<16x1024xf32>
    %scan3A = arith.constant 0 : i32
    %scan3A_21 = arith.constant 1024 : i32
    %scan3A_22 = arith.addi %scan3A, %scan3A_21 : i32
    %scan3A_23 = arith.constant 1 : i32
    %scan3A_24:4 = scf.for %scan3A_35 = %scan3A to %scan3A_22 step %scan3A_23 iter_args(%scan3A_36 = %broadcast_in_dim3A_18, %scan3A_37 = %broadcast_in_dim3A_20, %scan3A_38 = %broadcast_in_dim3A_20, %scan3A_39 = %broadcast_in_dim3A_20) -> (vector<16x1xi32>, vector<16x1024xf32>, vector<16x1024xf32>, vector<16x1024xf32>)  : i32 {
      %eq3A = vector.broadcast %scan3A_36 : vector<16x1xi32> to vector<16x4096xi32>
      %eq3A_40 = arith.cmpi eq, %iota3A, %eq3A : vector<16x4096xi32>
      %jit3A = arith.constant 0.000000e+00 : f32
      %broadcast_in_dim3A_41 = vector.broadcast %jit3A : f32 to vector<16x4096xf32>
      %select_n3A = arith.select %eq3A_40, %reshape3A, %broadcast_in_dim3A_41 : vector<16x4096xi1>, vector<16x4096xf32>
      %reduce_sum3A = arith.constant dense<0.000000e+00> : vector<16xf32>
      %reduce_sum3A_42 = vector.multi_reduction <add>, %select_n3A, %reduce_sum3A [1] : vector<16x4096xf32> to vector<16xf32>
      %broadcast_in_dim3A_43 = vector.shape_cast %reduce_sum3A_42 : vector<16xf32> to vector<16x1xf32>
      %jit3A_44 = arith.constant 0.000000e+00 : f32
      %broadcast_in_dim3A_45 = vector.broadcast %jit3A_44 : f32 to vector<16x4096xf32>
      %select_n3A_46 = arith.select %eq3A_40, %reshape3A_7, %broadcast_in_dim3A_45 : vector<16x4096xi1>, vector<16x4096xf32>
      %reduce_sum3A_47 = arith.constant dense<0.000000e+00> : vector<16xf32>
      %reduce_sum3A_48 = vector.multi_reduction <add>, %select_n3A_46, %reduce_sum3A_47 [1] : vector<16x4096xf32> to vector<16xf32>
      %broadcast_in_dim3A_49 = vector.shape_cast %reduce_sum3A_48 : vector<16xf32> to vector<16x1xf32>
      %jit3A_50 = arith.constant 0.000000e+00 : f32
      %broadcast_in_dim3A_51 = vector.broadcast %jit3A_50 : f32 to vector<16x4096xf32>
      %select_n3A_52 = arith.select %eq3A_40, %reshape3A_12, %broadcast_in_dim3A_51 : vector<16x4096xi1>, vector<16x4096xf32>
      %reduce_sum3A_53 = arith.constant dense<0.000000e+00> : vector<16xf32>
      %reduce_sum3A_54 = vector.multi_reduction <add>, %select_n3A_52, %reduce_sum3A_53 [1] : vector<16x4096xf32> to vector<16xf32>
      %broadcast_in_dim3A_55 = vector.shape_cast %reduce_sum3A_54 : vector<16xf32> to vector<16x1xf32>
      %eq3A_56 = vector.broadcast %scan3A_35 : i32 to vector<16x1024xi32>
      %eq3A_57 = arith.cmpi eq, %iota3A_13, %eq3A_56 : vector<16x1024xi32>
      %broadcast_in_dim3A_58 = vector.shape_cast %broadcast_in_dim3A_43 : vector<16x1xf32> to vector<16x1xf32>
      %broadcast_in_dim3A_59 = vector.broadcast %broadcast_in_dim3A_58 : vector<16x1xf32> to vector<16x1024xf32>
      %select_n3A_60 = arith.select %eq3A_57, %broadcast_in_dim3A_59, %scan3A_37 : vector<16x1024xi1>, vector<16x1024xf32>
      %broadcast_in_dim3A_61 = vector.shape_cast %broadcast_in_dim3A_49 : vector<16x1xf32> to vector<16x1xf32>
      %broadcast_in_dim3A_62 = vector.broadcast %broadcast_in_dim3A_61 : vector<16x1xf32> to vector<16x1024xf32>
      %select_n3A_63 = arith.select %eq3A_57, %broadcast_in_dim3A_62, %scan3A_38 : vector<16x1024xi1>, vector<16x1024xf32>
      %broadcast_in_dim3A_64 = vector.shape_cast %broadcast_in_dim3A_55 : vector<16x1xf32> to vector<16x1xf32>
      %broadcast_in_dim3A_65 = vector.broadcast %broadcast_in_dim3A_64 : vector<16x1xf32> to vector<16x1024xf32>
      %select_n3A_66 = arith.select %eq3A_57, %broadcast_in_dim3A_65, %scan3A_39 : vector<16x1024xi1>, vector<16x1024xf32>
      %sub3A = vector.broadcast %broadcast_in_dim3A_43 : vector<16x1xf32> to vector<16x4096xf32>
      %sub3A_67 = arith.subf %reshape3A, %sub3A : vector<16x4096xf32>
      %sub3A_68 = vector.broadcast %broadcast_in_dim3A_43 : vector<16x1xf32> to vector<16x4096xf32>
      %sub3A_69 = arith.subf %reshape3A, %sub3A_68 : vector<16x4096xf32>
      %mul3A = arith.mulf %sub3A_67, %sub3A_69 : vector<16x4096xf32>
      %min3A = arith.constant 9.99999993E+36 : f32
      %min3A_70 = vector.broadcast %min3A : f32 to vector<16x4096xf32>
      %min3A_71 = arith.minimumf %mul3A, %min3A_70 : vector<16x4096xf32>
      %sub3A_72 = vector.broadcast %broadcast_in_dim3A_49 : vector<16x1xf32> to vector<16x4096xf32>
      %sub3A_73 = arith.subf %reshape3A_7, %sub3A_72 : vector<16x4096xf32>
      %sub3A_74 = vector.broadcast %broadcast_in_dim3A_49 : vector<16x1xf32> to vector<16x4096xf32>
      %sub3A_75 = arith.subf %reshape3A_7, %sub3A_74 : vector<16x4096xf32>
      %mul3A_76 = arith.mulf %sub3A_73, %sub3A_75 : vector<16x4096xf32>
      %min3A_77 = arith.constant 9.99999993E+36 : f32
      %min3A_78 = vector.broadcast %min3A_77 : f32 to vector<16x4096xf32>
      %min3A_79 = arith.minimumf %mul3A_76, %min3A_78 : vector<16x4096xf32>
      %sub3A_80 = vector.broadcast %broadcast_in_dim3A_55 : vector<16x1xf32> to vector<16x4096xf32>
      %sub3A_81 = arith.subf %reshape3A_12, %sub3A_80 : vector<16x4096xf32>
      %sub3A_82 = vector.broadcast %broadcast_in_dim3A_55 : vector<16x1xf32> to vector<16x4096xf32>
      %sub3A_83 = arith.subf %reshape3A_12, %sub3A_82 : vector<16x4096xf32>
      %mul3A_84 = arith.mulf %sub3A_81, %sub3A_83 : vector<16x4096xf32>
      %min3A_85 = arith.constant 9.99999993E+36 : f32
      %min3A_86 = vector.broadcast %min3A_85 : f32 to vector<16x4096xf32>
      %min3A_87 = arith.minimumf %mul3A_84, %min3A_86 : vector<16x4096xf32>
      %add3A = arith.addf %min3A_71, %min3A_87 : vector<16x4096xf32>
      %add3A_88 = arith.addf %add3A, %min3A_79 : vector<16x4096xf32>
      %get3A_89 = arith.constant 0 : index
      %get3A_90 = arith.constant 0 : index
      %get3A_91 = vector.load %arg6[%get3A_89, %get3A_90] : memref<16x4096xf32, #tpu.memory_space<vmem>>, vector<16x4096xf32>
      %min3A_92 = arith.minimumf %get3A_91, %add3A_88 : vector<16x4096xf32>
      %swap3A_93 = arith.constant 0 : index
      %swap3A_94 = arith.constant 0 : index
      %swap3A_95 = vector.load %arg6[%swap3A_93, %swap3A_94] : memref<16x4096xf32, #tpu.memory_space<vmem>>, vector<16x4096xf32>
      tpu.vector_store %arg6[%swap3A_93, %swap3A_94], %min3A_92 {strides = array<i32>} : memref<16x4096xf32, #tpu.memory_space<vmem>>, vector<16x4096xf32>,
      %reduce_max3A = arith.constant dense<0xFF800000> : vector<16xf32>
      %reduce_max3A_96 = vector.multi_reduction <maximumf>, %min3A_92, %reduce_max3A [1] : vector<16x4096xf32> to vector<16xf32>
      %broadcast_in_dim3A_97 = vector.shape_cast %reduce_max3A_96 : vector<16xf32> to vector<16x1xf32>
      %eq3A_98 = vector.broadcast %broadcast_in_dim3A_97 : vector<16x1xf32> to vector<16x4096xf32>
      %eq3A_99 = arith.cmpf oeq, %min3A_92, %eq3A_98 : vector<16x4096xf32>
      %jit3A_100 = arith.constant 1073741824 : i32
      %broadcast_in_dim3A_101 = vector.broadcast %jit3A_100 : i32 to vector<16x4096xi32>
      %select_n3A_102 = arith.select %eq3A_99, %iota3A, %broadcast_in_dim3A_101 : vector<16x4096xi1>, vector<16x4096xi32>
      %reduce_min3A = arith.constant dense<2147483647> : vector<16xi32>
      %reduce_min3A_103 = vector.multi_reduction <minsi>, %select_n3A_102, %reduce_min3A [1] : vector<16x4096xi32> to vector<16xi32>
      %broadcast_in_dim3A_104 = vector.shape_cast %reduce_min3A_103 : vector<16xi32> to vector<16x1xi32>
      scf.yield %broadcast_in_dim3A_104, %select_n3A_60, %select_n3A_63, %select_n3A_66 : vector<16x1xi32>, vector<16x1024xf32>, vector<16x1024xf32>, vector<16x1024xf32>
    }
    %scan3A_25 = arith.constant 1024 : i32
    %swap3A_26 = arith.constant 0 : index
    %swap3A_27 = arith.constant 0 : index
    %swap3A_28 = vector.load %arg3[%swap3A_26, %swap3A_27] : memref<16x1024xf32, #tpu.memory_space<vmem>>, vector<16x1024xf32>
    tpu.vector_store %arg3[%swap3A_26, %swap3A_27], %scan3A_24#1 {strides = array<i32>} : memref<16x1024xf32, #tpu.memory_space<vmem>>, vector<16x1024xf32>,
    %swap3A_29 = arith.constant 0 : index
    %swap3A_30 = arith.constant 0 : index
    %swap3A_31 = vector.load %arg4[%swap3A_29, %swap3A_30] : memref<16x1024xf32, #tpu.memory_space<vmem>>, vector<16x1024xf32>
    tpu.vector_store %arg4[%swap3A_29, %swap3A_30], %scan3A_24#2 {strides = array<i32>} : memref<16x1024xf32, #tpu.memory_space<vmem>>, vector<16x1024xf32>,
    %swap3A_32 = arith.constant 0 : index
    %swap3A_33 = arith.constant 0 : index
    %swap3A_34 = vector.load %arg5[%swap3A_32, %swap3A_33] : memref<16x1024xf32, #tpu.memory_space<vmem>>, vector<16x1024xf32>
    tpu.vector_store %arg5[%swap3A_32, %swap3A_33], %scan3A_24#3 {strides = array<i32>} : memref<16x1024xf32, #tpu.memory_space<vmem>>, vector<16x1024xf32>,
    return
  }
}

module attributes {stable_mosaic.version = 14 : i64} {
  func.func @_knn_body(%arg0: i32, %arg1: i32, %arg2: memref<1x1x4096xf32, #tpu.memory_space<vmem>>, %arg3: memref<1x1x4096xf32, #tpu.memory_space<vmem>>, %arg4: memref<1x1x4096xf32, #tpu.memory_space<vmem>>, %arg5: memref<1x256x3xf32, #tpu.memory_space<vmem>>, %arg6: memref<1x256x16xi32, #tpu.memory_space<vmem>>, %arg7: memref<256x4096xf32, #tpu.memory_space<vmem>>) attributes {dimension_semantics = [#tpu.dimension_semantics<arbitrary>, #tpu.dimension_semantics<arbitrary>], iteration_bounds = array<i64: 16, 4>, scalar_prefetch = 0 : i64, scratch_operands = 1 : i64, tpu.core_type = #tpu.core_type<tc>, window_params = [{transform_indices = @transform_0, window_bounds = array<i64: 1, 1, 4096>}, {transform_indices = @transform_1, window_bounds = array<i64: 1, 1, 4096>}, {transform_indices = @transform_2, window_bounds = array<i64: 1, 1, 4096>}, {transform_indices = @transform_3, window_bounds = array<i64: 1, 256, 3>}, {transform_indices = @transform_4, window_bounds = array<i64: 1, 256, 16>}]} {
    %get3A = arith.constant 0 : index
    %get3A_0 = arith.constant 0 : index
    %get3A_1 = arith.constant 0 : index
    %get3A_2 = vector.load %arg2[%get3A, %get3A_0, %get3A_1] : memref<1x1x4096xf32, #tpu.memory_space<vmem>>, vector<1x1x4096xf32>
    %get3A_3 = vector.shape_cast %get3A_2 : vector<1x1x4096xf32> to vector<1x4096xf32>
    %get3A_4 = arith.constant 0 : index
    %get3A_5 = arith.constant 0 : index
    %get3A_6 = arith.constant 0 : index
    %get3A_7 = vector.load %arg3[%get3A_4, %get3A_5, %get3A_6] : memref<1x1x4096xf32, #tpu.memory_space<vmem>>, vector<1x1x4096xf32>
    %get3A_8 = vector.shape_cast %get3A_7 : vector<1x1x4096xf32> to vector<1x4096xf32>
    %get3A_9 = arith.constant 0 : index
    %get3A_10 = arith.constant 0 : index
    %get3A_11 = arith.constant 0 : index
    %get3A_12 = vector.load %arg4[%get3A_9, %get3A_10, %get3A_11] : memref<1x1x4096xf32, #tpu.memory_space<vmem>>, vector<1x1x4096xf32>
    %get3A_13 = vector.shape_cast %get3A_12 : vector<1x1x4096xf32> to vector<1x4096xf32>
    %get3A_14 = arith.constant 0 : index
    %get3A_15 = arith.constant 0 : index
    %get3A_16 = arith.constant 0 : index
    %get3A_17 = vector.load %arg5[%get3A_14, %get3A_15, %get3A_16] : memref<1x256x3xf32, #tpu.memory_space<vmem>>, vector<1x256x3xf32>
    %get3A_18 = vector.shape_cast %get3A_17 : vector<1x256x3xf32> to vector<256x3xf32>
    %slice3A = vector.extract_strided_slice %get3A_18 {offsets = [0, 0], sizes = [256, 1], strides = [1, 1]} : vector<256x3xf32> to vector<256x1xf32>
    %slice3A_19 = vector.extract_strided_slice %get3A_18 {offsets = [0, 1], sizes = [256, 1], strides = [1, 1]} : vector<256x3xf32> to vector<256x1xf32>
    %slice3A_20 = vector.extract_strided_slice %get3A_18 {offsets = [0, 2], sizes = [256, 1], strides = [1, 1]} : vector<256x3xf32> to vector<256x1xf32>
    %mul3A = arith.mulf %get3A_3, %get3A_3 : vector<1x4096xf32>
    %mul3A_21 = arith.mulf %get3A_8, %get3A_8 : vector<1x4096xf32>
    %add3A = arith.addf %mul3A, %mul3A_21 : vector<1x4096xf32>
    %mul3A_22 = arith.mulf %get3A_13, %get3A_13 : vector<1x4096xf32>
    %add3A_23 = arith.addf %add3A, %mul3A_22 : vector<1x4096xf32>
    %mul3A_24 = arith.mulf %slice3A, %slice3A : vector<256x1xf32>
    %mul3A_25 = arith.mulf %slice3A_19, %slice3A_19 : vector<256x1xf32>
    %add3A_26 = arith.addf %mul3A_24, %mul3A_25 : vector<256x1xf32>
    %mul3A_27 = arith.mulf %slice3A_20, %slice3A_20 : vector<256x1xf32>
    %add3A_28 = arith.addf %add3A_26, %mul3A_27 : vector<256x1xf32>
    %convert_element_type3A = arith.truncf %slice3A : vector<256x1xf32> to vector<256x1xbf16>
    %convert_element_type3A_29 = arith.extf %convert_element_type3A : vector<256x1xbf16> to vector<256x1xf32>
    %convert_element_type3A_30 = arith.truncf %get3A_3 : vector<1x4096xf32> to vector<1x4096xbf16>
    %convert_element_type3A_31 = arith.extf %convert_element_type3A_30 : vector<1x4096xbf16> to vector<1x4096xf32>
    %mul3A_32 = vector.broadcast %convert_element_type3A_29 : vector<256x1xf32> to vector<256x4096xf32>
    %mul3A_33 = vector.broadcast %convert_element_type3A_31 : vector<1x4096xf32> to vector<256x4096xf32>
    %mul3A_34 = arith.mulf %mul3A_32, %mul3A_33 : vector<256x4096xf32>
    %convert_element_type3A_35 = arith.truncf %slice3A_19 : vector<256x1xf32> to vector<256x1xbf16>
    %convert_element_type3A_36 = arith.extf %convert_element_type3A_35 : vector<256x1xbf16> to vector<256x1xf32>
    %convert_element_type3A_37 = arith.truncf %get3A_8 : vector<1x4096xf32> to vector<1x4096xbf16>
    %convert_element_type3A_38 = arith.extf %convert_element_type3A_37 : vector<1x4096xbf16> to vector<1x4096xf32>
    %mul3A_39 = vector.broadcast %convert_element_type3A_36 : vector<256x1xf32> to vector<256x4096xf32>
    %mul3A_40 = vector.broadcast %convert_element_type3A_38 : vector<1x4096xf32> to vector<256x4096xf32>
    %mul3A_41 = arith.mulf %mul3A_39, %mul3A_40 : vector<256x4096xf32>
    %add3A_42 = arith.addf %mul3A_34, %mul3A_41 : vector<256x4096xf32>
    %convert_element_type3A_43 = arith.truncf %slice3A_20 : vector<256x1xf32> to vector<256x1xbf16>
    %convert_element_type3A_44 = arith.extf %convert_element_type3A_43 : vector<256x1xbf16> to vector<256x1xf32>
    %convert_element_type3A_45 = arith.truncf %get3A_13 : vector<1x4096xf32> to vector<1x4096xbf16>
    %convert_element_type3A_46 = arith.extf %convert_element_type3A_45 : vector<1x4096xbf16> to vector<1x4096xf32>
    %mul3A_47 = vector.broadcast %convert_element_type3A_44 : vector<256x1xf32> to vector<256x4096xf32>
    %mul3A_48 = vector.broadcast %convert_element_type3A_46 : vector<1x4096xf32> to vector<256x4096xf32>
    %mul3A_49 = arith.mulf %mul3A_47, %mul3A_48 : vector<256x4096xf32>
    %add3A_50 = arith.addf %add3A_42, %mul3A_49 : vector<256x4096xf32>
    %mul3A_51 = arith.constant -2.000000e+00 : f32
    %mul3A_52 = vector.broadcast %mul3A_51 : f32 to vector<256x4096xf32>
    %mul3A_53 = arith.mulf %mul3A_52, %add3A_50 : vector<256x4096xf32>
    %add3A_54 = vector.broadcast %add3A_28 : vector<256x1xf32> to vector<256x4096xf32>
    %add3A_55 = arith.addf %mul3A_53, %add3A_54 : vector<256x4096xf32>
    %add3A_56 = vector.broadcast %add3A_23 : vector<1x4096xf32> to vector<256x4096xf32>
    %add3A_57 = arith.addf %add3A_55, %add3A_56 : vector<256x4096xf32>
    %swap3A = arith.constant 0 : index
    %swap3A_58 = arith.constant 0 : index
    %swap3A_59 = vector.load %arg7[%swap3A, %swap3A_58] : memref<256x4096xf32, #tpu.memory_space<vmem>>, vector<256x4096xf32>
    tpu.vector_store %arg7[%swap3A, %swap3A_58], %add3A_57 {strides = array<i32>} : memref<256x4096xf32, #tpu.memory_space<vmem>>, vector<256x4096xf32>,
    %iota3A = tpu.iota {dimensions = array<i32: 1>} : vector<256x4096xi32>
    %mul3A_60 = arith.constant 4096 : i32
    %mul3A_61 = arith.muli %arg0, %mul3A_60 : i32
    %get3A_62 = arith.constant 0 : index
    %get3A_63 = arith.constant 0 : index
    %get3A_64 = vector.load %arg7[%get3A_62, %get3A_63] : memref<256x4096xf32, #tpu.memory_space<vmem>>, vector<256x4096xf32>
    %reduce_min3A = arith.constant dense<0x7F800000> : vector<256xf32>
    %reduce_min3A_65 = vector.multi_reduction <minimumf>, %get3A_64, %reduce_min3A [1] : vector<256x4096xf32> to vector<256xf32>
    %broadcast_in_dim3A = vector.shape_cast %reduce_min3A_65 : vector<256xf32> to vector<256x1xf32>
    %eq3A = vector.broadcast %broadcast_in_dim3A : vector<256x1xf32> to vector<256x4096xf32>
    %eq3A_66 = arith.cmpf oeq, %get3A_64, %eq3A : vector<256x4096xf32>
    %jit3A = arith.constant 1073741824 : i32
    %broadcast_in_dim3A_67 = vector.broadcast %jit3A : i32 to vector<256x4096xi32>
    %select_n3A = arith.select %eq3A_66, %iota3A, %broadcast_in_dim3A_67 : vector<256x4096xi1>, vector<256x4096xi32>
    %reduce_min3A_68 = arith.constant dense<2147483647> : vector<256xi32>
    %reduce_min3A_69 = vector.multi_reduction <minsi>, %select_n3A, %reduce_min3A_68 [1] : vector<256x4096xi32> to vector<256xi32>
    %broadcast_in_dim3A_70 = vector.shape_cast %reduce_min3A_69 : vector<256xi32> to vector<256x1xi32>
    %add3A_71 = vector.broadcast %mul3A_61 : i32 to vector<256x1xi32>
    %add3A_72 = arith.addi %broadcast_in_dim3A_70, %add3A_71 : vector<256x1xi32>
    %broadcast_in_dim3A_73 = vector.shape_cast %add3A_72 : vector<256x1xi32> to vector<1x256x1xi32>
    %swap3A_74 = arith.constant 0 : index
    %swap3A_75 = arith.constant 0 : index
    %swap3A_76 = arith.constant 0 : index
    %swap3A_77 = vector.load %arg6[%swap3A_74, %swap3A_75, %swap3A_76] : memref<1x256x16xi32, #tpu.memory_space<vmem>>, vector<1x256x1xi32>
    tpu.vector_store %arg6[%swap3A_74, %swap3A_75, %swap3A_76], %broadcast_in_dim3A_73 {strides = array<i32>} : memref<1x256x16xi32, #tpu.memory_space<vmem>>, vector<1x256x1xi32>,
    %eq3A_78 = vector.broadcast %broadcast_in_dim3A_70 : vector<256x1xi32> to vector<256x4096xi32>
    %eq3A_79 = arith.cmpi eq, %iota3A, %eq3A_78 : vector<256x4096xi32>
    %jit3A_80 = arith.constant 1.000000e+30 : f32
    %broadcast_in_dim3A_81 = vector.broadcast %jit3A_80 : f32 to vector<256x4096xf32>
    %select_n3A_82 = arith.select %eq3A_79, %broadcast_in_dim3A_81, %get3A_64 : vector<256x4096xi1>, vector<256x4096xf32>
    %swap3A_83 = arith.constant 0 : index
    %swap3A_84 = arith.constant 0 : index
    %swap3A_85 = vector.load %arg7[%swap3A_83, %swap3A_84] : memref<256x4096xf32, #tpu.memory_space<vmem>>, vector<256x4096xf32>
    tpu.vector_store %arg7[%swap3A_83, %swap3A_84], %select_n3A_82 {strides = array<i32>} : memref<256x4096xf32, #tpu.memory_space<vmem>>, vector<256x4096xf32>,
    %get3A_86 = arith.constant 0 : index
    %get3A_87 = arith.constant 0 : index
    %get3A_88 = vector.load %arg7[%get3A_86, %get3A_87] : memref<256x4096xf32, #tpu.memory_space<vmem>>, vector<256x4096xf32>
    %reduce_min3A_89 = arith.constant dense<0x7F800000> : vector<256xf32>
    %reduce_min3A_90 = vector.multi_reduction <minimumf>, %get3A_88, %reduce_min3A_89 [1] : vector<256x4096xf32> to vector<256xf32>
    %broadcast_in_dim3A_91 = vector.shape_cast %reduce_min3A_90 : vector<256xf32> to vector<256x1xf32>
    %eq3A_92 = vector.broadcast %broadcast_in_dim3A_91 : vector<256x1xf32> to vector<256x4096xf32>
    %eq3A_93 = arith.cmpf oeq, %get3A_88, %eq3A_92 : vector<256x4096xf32>
    %jit3A_94 = arith.constant 1073741824 : i32
    %broadcast_in_dim3A_95 = vector.broadcast %jit3A_94 : i32 to vector<256x4096xi32>
    %select_n3A_96 = arith.select %eq3A_93, %iota3A, %broadcast_in_dim3A_95 : vector<256x4096xi1>, vector<256x4096xi32>
    %reduce_min3A_97 = arith.constant dense<2147483647> : vector<256xi32>
    %reduce_min3A_98 = vector.multi_reduction <minsi>, %select_n3A_96, %reduce_min3A_97 [1] : vector<256x4096xi32> to vector<256xi32>
    %broadcast_in_dim3A_99 = vector.shape_cast %reduce_min3A_98 : vector<256xi32> to vector<256x1xi32>
    %add3A_100 = vector.broadcast %mul3A_61 : i32 to vector<256x1xi32>
    %add3A_101 = arith.addi %broadcast_in_dim3A_99, %add3A_100 : vector<256x1xi32>
    %broadcast_in_dim3A_102 = vector.shape_cast %add3A_101 : vector<256x1xi32> to vector<1x256x1xi32>
    %swap3A_103 = arith.constant 0 : index
    %swap3A_104 = arith.constant 0 : index
    %swap3A_105 = arith.constant 1 : index
    %swap3A_106 = vector.load %arg6[%swap3A_103, %swap3A_104, %swap3A_105] : memref<1x256x16xi32, #tpu.memory_space<vmem>>, vector<1x256x1xi32>
    tpu.vector_store %arg6[%swap3A_103, %swap3A_104, %swap3A_105], %broadcast_in_dim3A_102 {strides = array<i32>} : memref<1x256x16xi32, #tpu.memory_space<vmem>>, vector<1x256x1xi32>,
    %eq3A_107 = vector.broadcast %broadcast_in_dim3A_99 : vector<256x1xi32> to vector<256x4096xi32>
    %eq3A_108 = arith.cmpi eq, %iota3A, %eq3A_107 : vector<256x4096xi32>
    %jit3A_109 = arith.constant 1.000000e+30 : f32
    %broadcast_in_dim3A_110 = vector.broadcast %jit3A_109 : f32 to vector<256x4096xf32>
    %select_n3A_111 = arith.select %eq3A_108, %broadcast_in_dim3A_110, %get3A_88 : vector<256x4096xi1>, vector<256x4096xf32>
    %swap3A_112 = arith.constant 0 : index
    %swap3A_113 = arith.constant 0 : index
    %swap3A_114 = vector.load %arg7[%swap3A_112, %swap3A_113] : memref<256x4096xf32, #tpu.memory_space<vmem>>, vector<256x4096xf32>
    tpu.vector_store %arg7[%swap3A_112, %swap3A_113], %select_n3A_111 {strides = array<i32>} : memref<256x4096xf32, #tpu.memory_space<vmem>>, vector<256x4096xf32>,
    %get3A_115 = arith.constant 0 : index
    %get3A_116 = arith.constant 0 : index
    %get3A_117 = vector.load %arg7[%get3A_115, %get3A_116] : memref<256x4096xf32, #tpu.memory_space<vmem>>, vector<256x4096xf32>
    %reduce_min3A_118 = arith.constant dense<0x7F800000> : vector<256xf32>
    %reduce_min3A_119 = vector.multi_reduction <minimumf>, %get3A_117, %reduce_min3A_118 [1] : vector<256x4096xf32> to vector<256xf32>
    %broadcast_in_dim3A_120 = vector.shape_cast %reduce_min3A_119 : vector<256xf32> to vector<256x1xf32>
    %eq3A_121 = vector.broadcast %broadcast_in_dim3A_120 : vector<256x1xf32> to vector<256x4096xf32>
    %eq3A_122 = arith.cmpf oeq, %get3A_117, %eq3A_121 : vector<256x4096xf32>
    %jit3A_123 = arith.constant 1073741824 : i32
    %broadcast_in_dim3A_124 = vector.broadcast %jit3A_123 : i32 to vector<256x4096xi32>
    %select_n3A_125 = arith.select %eq3A_122, %iota3A, %broadcast_in_dim3A_124 : vector<256x4096xi1>, vector<256x4096xi32>
    %reduce_min3A_126 = arith.constant dense<2147483647> : vector<256xi32>
    %reduce_min3A_127 = vector.multi_reduction <minsi>, %select_n3A_125, %reduce_min3A_126 [1] : vector<256x4096xi32> to vector<256xi32>
    %broadcast_in_dim3A_128 = vector.shape_cast %reduce_min3A_127 : vector<256xi32> to vector<256x1xi32>
    %add3A_129 = vector.broadcast %mul3A_61 : i32 to vector<256x1xi32>
    %add3A_130 = arith.addi %broadcast_in_dim3A_128, %add3A_129 : vector<256x1xi32>
    %broadcast_in_dim3A_131 = vector.shape_cast %add3A_130 : vector<256x1xi32> to vector<1x256x1xi32>
    %swap3A_132 = arith.constant 0 : index
    %swap3A_133 = arith.constant 0 : index
    %swap3A_134 = arith.constant 2 : index
    %swap3A_135 = vector.load %arg6[%swap3A_132, %swap3A_133, %swap3A_134] : memref<1x256x16xi32, #tpu.memory_space<vmem>>, vector<1x256x1xi32>
    tpu.vector_store %arg6[%swap3A_132, %swap3A_133, %swap3A_134], %broadcast_in_dim3A_131 {strides = array<i32>} : memref<1x256x16xi32, #tpu.memory_space<vmem>>, vector<1x256x1xi32>,
    %eq3A_136 = vector.broadcast %broadcast_in_dim3A_128 : vector<256x1xi32> to vector<256x4096xi32>
    %eq3A_137 = arith.cmpi eq, %iota3A, %eq3A_136 : vector<256x4096xi32>
    %jit3A_138 = arith.constant 1.000000e+30 : f32
    %broadcast_in_dim3A_139 = vector.broadcast %jit3A_138 : f32 to vector<256x4096xf32>
    %select_n3A_140 = arith.select %eq3A_137, %broadcast_in_dim3A_139, %get3A_117 : vector<256x4096xi1>, vector<256x4096xf32>
    %swap3A_141 = arith.constant 0 : index
    %swap3A_142 = arith.constant 0 : index
    %swap3A_143 = vector.load %arg7[%swap3A_141, %swap3A_142] : memref<256x4096xf32, #tpu.memory_space<vmem>>, vector<256x4096xf32>
    tpu.vector_store %arg7[%swap3A_141, %swap3A_142], %select_n3A_140 {strides = array<i32>} : memref<256x4096xf32, #tpu.memory_space<vmem>>, vector<256x4096xf32>,
    %get3A_144 = arith.constant 0 : index
    %get3A_145 = arith.constant 0 : index
    %get3A_146 = vector.load %arg7[%get3A_144, %get3A_145] : memref<256x4096xf32, #tpu.memory_space<vmem>>, vector<256x4096xf32>
    %reduce_min3A_147 = arith.constant dense<0x7F800000> : vector<256xf32>
    %reduce_min3A_148 = vector.multi_reduction <minimumf>, %get3A_146, %reduce_min3A_147 [1] : vector<256x4096xf32> to vector<256xf32>
    %broadcast_in_dim3A_149 = vector.shape_cast %reduce_min3A_148 : vector<256xf32> to vector<256x1xf32>
    %eq3A_150 = vector.broadcast %broadcast_in_dim3A_149 : vector<256x1xf32> to vector<256x4096xf32>
    %eq3A_151 = arith.cmpf oeq, %get3A_146, %eq3A_150 : vector<256x4096xf32>
    %jit3A_152 = arith.constant 1073741824 : i32
    %broadcast_in_dim3A_153 = vector.broadcast %jit3A_152 : i32 to vector<256x4096xi32>
    %select_n3A_154 = arith.select %eq3A_151, %iota3A, %broadcast_in_dim3A_153 : vector<256x4096xi1>, vector<256x4096xi32>
    %reduce_min3A_155 = arith.constant dense<2147483647> : vector<256xi32>
    %reduce_min3A_156 = vector.multi_reduction <minsi>, %select_n3A_154, %reduce_min3A_155 [1] : vector<256x4096xi32> to vector<256xi32>
    %broadcast_in_dim3A_157 = vector.shape_cast %reduce_min3A_156 : vector<256xi32> to vector<256x1xi32>
    %add3A_158 = vector.broadcast %mul3A_61 : i32 to vector<256x1xi32>
    %add3A_159 = arith.addi %broadcast_in_dim3A_157, %add3A_158 : vector<256x1xi32>
    %broadcast_in_dim3A_160 = vector.shape_cast %add3A_159 : vector<256x1xi32> to vector<1x256x1xi32>
    %swap3A_161 = arith.constant 0 : index
    %swap3A_162 = arith.constant 0 : index
    %swap3A_163 = arith.constant 3 : index
    %swap3A_164 = vector.load %arg6[%swap3A_161, %swap3A_162, %swap3A_163] : memref<1x256x16xi32, #tpu.memory_space<vmem>>, vector<1x256x1xi32>
    tpu.vector_store %arg6[%swap3A_161, %swap3A_162, %swap3A_163], %broadcast_in_dim3A_160 {strides = array<i32>} : memref<1x256x16xi32, #tpu.memory_space<vmem>>, vector<1x256x1xi32>,
    %eq3A_165 = vector.broadcast %broadcast_in_dim3A_157 : vector<256x1xi32> to vector<256x4096xi32>
    %eq3A_166 = arith.cmpi eq, %iota3A, %eq3A_165 : vector<256x4096xi32>
    %jit3A_167 = arith.constant 1.000000e+30 : f32
    %broadcast_in_dim3A_168 = vector.broadcast %jit3A_167 : f32 to vector<256x4096xf32>
    %select_n3A_169 = arith.select %eq3A_166, %broadcast_in_dim3A_168, %get3A_146 : vector<256x4096xi1>, vector<256x4096xf32>
    %swap3A_170 = arith.constant 0 : index
    %swap3A_171 = arith.constant 0 : index
    %swap3A_172 = vector.load %arg7[%swap3A_170, %swap3A_171] : memref<256x4096xf32, #tpu.memory_space<vmem>>, vector<256x4096xf32>
    tpu.vector_store %arg7[%swap3A_170, %swap3A_171], %select_n3A_169 {strides = array<i32>} : memref<256x4096xf32, #tpu.memory_space<vmem>>, vector<256x4096xf32>,
    %get3A_173 = arith.constant 0 : index
    %get3A_174 = arith.constant 0 : index
    %get3A_175 = vector.load %arg7[%get3A_173, %get3A_174] : memref<256x4096xf32, #tpu.memory_space<vmem>>, vector<256x4096xf32>
    %reduce_min3A_176 = arith.constant dense<0x7F800000> : vector<256xf32>
    %reduce_min3A_177 = vector.multi_reduction <minimumf>, %get3A_175, %reduce_min3A_176 [1] : vector<256x4096xf32> to vector<256xf32>
    %broadcast_in_dim3A_178 = vector.shape_cast %reduce_min3A_177 : vector<256xf32> to vector<256x1xf32>
    %eq3A_179 = vector.broadcast %broadcast_in_dim3A_178 : vector<256x1xf32> to vector<256x4096xf32>
    %eq3A_180 = arith.cmpf oeq, %get3A_175, %eq3A_179 : vector<256x4096xf32>
    %jit3A_181 = arith.constant 1073741824 : i32
    %broadcast_in_dim3A_182 = vector.broadcast %jit3A_181 : i32 to vector<256x4096xi32>
    %select_n3A_183 = arith.select %eq3A_180, %iota3A, %broadcast_in_dim3A_182 : vector<256x4096xi1>, vector<256x4096xi32>
    %reduce_min3A_184 = arith.constant dense<2147483647> : vector<256xi32>
    %reduce_min3A_185 = vector.multi_reduction <minsi>, %select_n3A_183, %reduce_min3A_184 [1] : vector<256x4096xi32> to vector<256xi32>
    %broadcast_in_dim3A_186 = vector.shape_cast %reduce_min3A_185 : vector<256xi32> to vector<256x1xi32>
    %add3A_187 = vector.broadcast %mul3A_61 : i32 to vector<256x1xi32>
    %add3A_188 = arith.addi %broadcast_in_dim3A_186, %add3A_187 : vector<256x1xi32>
    %broadcast_in_dim3A_189 = vector.shape_cast %add3A_188 : vector<256x1xi32> to vector<1x256x1xi32>
    %swap3A_190 = arith.constant 0 : index
    %swap3A_191 = arith.constant 0 : index
    %swap3A_192 = arith.constant 4 : index
    %swap3A_193 = vector.load %arg6[%swap3A_190, %swap3A_191, %swap3A_192] : memref<1x256x16xi32, #tpu.memory_space<vmem>>, vector<1x256x1xi32>
    tpu.vector_store %arg6[%swap3A_190, %swap3A_191, %swap3A_192], %broadcast_in_dim3A_189 {strides = array<i32>} : memref<1x256x16xi32, #tpu.memory_space<vmem>>, vector<1x256x1xi32>,
    %eq3A_194 = vector.broadcast %broadcast_in_dim3A_186 : vector<256x1xi32> to vector<256x4096xi32>
    %eq3A_195 = arith.cmpi eq, %iota3A, %eq3A_194 : vector<256x4096xi32>
    %jit3A_196 = arith.constant 1.000000e+30 : f32
    %broadcast_in_dim3A_197 = vector.broadcast %jit3A_196 : f32 to vector<256x4096xf32>
    %select_n3A_198 = arith.select %eq3A_195, %broadcast_in_dim3A_197, %get3A_175 : vector<256x4096xi1>, vector<256x4096xf32>
    %swap3A_199 = arith.constant 0 : index
    %swap3A_200 = arith.constant 0 : index
    %swap3A_201 = vector.load %arg7[%swap3A_199, %swap3A_200] : memref<256x4096xf32, #tpu.memory_space<vmem>>, vector<256x4096xf32>
    tpu.vector_store %arg7[%swap3A_199, %swap3A_200], %select_n3A_198 {strides = array<i32>} : memref<256x4096xf32, #tpu.memory_space<vmem>>, vector<256x4096xf32>,
    %get3A_202 = arith.constant 0 : index
    %get3A_203 = arith.constant 0 : index
    %get3A_204 = vector.load %arg7[%get3A_202, %get3A_203] : memref<256x4096xf32, #tpu.memory_space<vmem>>, vector<256x4096xf32>
    %reduce_min3A_205 = arith.constant dense<0x7F800000> : vector<256xf32>
    %reduce_min3A_206 = vector.multi_reduction <minimumf>, %get3A_204, %reduce_min3A_205 [1] : vector<256x4096xf32> to vector<256xf32>
    %broadcast_in_dim3A_207 = vector.shape_cast %reduce_min3A_206 : vector<256xf32> to vector<256x1xf32>
    %eq3A_208 = vector.broadcast %broadcast_in_dim3A_207 : vector<256x1xf32> to vector<256x4096xf32>
    %eq3A_209 = arith.cmpf oeq, %get3A_204, %eq3A_208 : vector<256x4096xf32>
    %jit3A_210 = arith.constant 1073741824 : i32
    %broadcast_in_dim3A_211 = vector.broadcast %jit3A_210 : i32 to vector<256x4096xi32>
    %select_n3A_212 = arith.select %eq3A_209, %iota3A, %broadcast_in_dim3A_211 : vector<256x4096xi1>, vector<256x4096xi32>
    %reduce_min3A_213 = arith.constant dense<2147483647> : vector<256xi32>
    %reduce_min3A_214 = vector.multi_reduction <minsi>, %select_n3A_212, %reduce_min3A_213 [1] : vector<256x4096xi32> to vector<256xi32>
    %broadcast_in_dim3A_215 = vector.shape_cast %reduce_min3A_214 : vector<256xi32> to vector<256x1xi32>
    %add3A_216 = vector.broadcast %mul3A_61 : i32 to vector<256x1xi32>
    %add3A_217 = arith.addi %broadcast_in_dim3A_215, %add3A_216 : vector<256x1xi32>
    %broadcast_in_dim3A_218 = vector.shape_cast %add3A_217 : vector<256x1xi32> to vector<1x256x1xi32>
    %swap3A_219 = arith.constant 0 : index
    %swap3A_220 = arith.constant 0 : index
    %swap3A_221 = arith.constant 5 : index
    %swap3A_222 = vector.load %arg6[%swap3A_219, %swap3A_220, %swap3A_221] : memref<1x256x16xi32, #tpu.memory_space<vmem>>, vector<1x256x1xi32>
    tpu.vector_store %arg6[%swap3A_219, %swap3A_220, %swap3A_221], %broadcast_in_dim3A_218 {strides = array<i32>} : memref<1x256x16xi32, #tpu.memory_space<vmem>>, vector<1x256x1xi32>,
    %eq3A_223 = vector.broadcast %broadcast_in_dim3A_215 : vector<256x1xi32> to vector<256x4096xi32>
    %eq3A_224 = arith.cmpi eq, %iota3A, %eq3A_223 : vector<256x4096xi32>
    %jit3A_225 = arith.constant 1.000000e+30 : f32
    %broadcast_in_dim3A_226 = vector.broadcast %jit3A_225 : f32 to vector<256x4096xf32>
    %select_n3A_227 = arith.select %eq3A_224, %broadcast_in_dim3A_226, %get3A_204 : vector<256x4096xi1>, vector<256x4096xf32>
    %swap3A_228 = arith.constant 0 : index
    %swap3A_229 = arith.constant 0 : index
    %swap3A_230 = vector.load %arg7[%swap3A_228, %swap3A_229] : memref<256x4096xf32, #tpu.memory_space<vmem>>, vector<256x4096xf32>
    tpu.vector_store %arg7[%swap3A_228, %swap3A_229], %select_n3A_227 {strides = array<i32>} : memref<256x4096xf32, #tpu.memory_space<vmem>>, vector<256x4096xf32>,
    %get3A_231 = arith.constant 0 : index
    %get3A_232 = arith.constant 0 : index
    %get3A_233 = vector.load %arg7[%get3A_231, %get3A_232] : memref<256x4096xf32, #tpu.memory_space<vmem>>, vector<256x4096xf32>
    %reduce_min3A_234 = arith.constant dense<0x7F800000> : vector<256xf32>
    %reduce_min3A_235 = vector.multi_reduction <minimumf>, %get3A_233, %reduce_min3A_234 [1] : vector<256x4096xf32> to vector<256xf32>
    %broadcast_in_dim3A_236 = vector.shape_cast %reduce_min3A_235 : vector<256xf32> to vector<256x1xf32>
    %eq3A_237 = vector.broadcast %broadcast_in_dim3A_236 : vector<256x1xf32> to vector<256x4096xf32>
    %eq3A_238 = arith.cmpf oeq, %get3A_233, %eq3A_237 : vector<256x4096xf32>
    %jit3A_239 = arith.constant 1073741824 : i32
    %broadcast_in_dim3A_240 = vector.broadcast %jit3A_239 : i32 to vector<256x4096xi32>
    %select_n3A_241 = arith.select %eq3A_238, %iota3A, %broadcast_in_dim3A_240 : vector<256x4096xi1>, vector<256x4096xi32>
    %reduce_min3A_242 = arith.constant dense<2147483647> : vector<256xi32>
    %reduce_min3A_243 = vector.multi_reduction <minsi>, %select_n3A_241, %reduce_min3A_242 [1] : vector<256x4096xi32> to vector<256xi32>
    %broadcast_in_dim3A_244 = vector.shape_cast %reduce_min3A_243 : vector<256xi32> to vector<256x1xi32>
    %add3A_245 = vector.broadcast %mul3A_61 : i32 to vector<256x1xi32>
    %add3A_246 = arith.addi %broadcast_in_dim3A_244, %add3A_245 : vector<256x1xi32>
    %broadcast_in_dim3A_247 = vector.shape_cast %add3A_246 : vector<256x1xi32> to vector<1x256x1xi32>
    %swap3A_248 = arith.constant 0 : index
    %swap3A_249 = arith.constant 0 : index
    %swap3A_250 = arith.constant 6 : index
    %swap3A_251 = vector.load %arg6[%swap3A_248, %swap3A_249, %swap3A_250] : memref<1x256x16xi32, #tpu.memory_space<vmem>>, vector<1x256x1xi32>
    tpu.vector_store %arg6[%swap3A_248, %swap3A_249, %swap3A_250], %broadcast_in_dim3A_247 {strides = array<i32>} : memref<1x256x16xi32, #tpu.memory_space<vmem>>, vector<1x256x1xi32>,
    %eq3A_252 = vector.broadcast %broadcast_in_dim3A_244 : vector<256x1xi32> to vector<256x4096xi32>
    %eq3A_253 = arith.cmpi eq, %iota3A, %eq3A_252 : vector<256x4096xi32>
    %jit3A_254 = arith.constant 1.000000e+30 : f32
    %broadcast_in_dim3A_255 = vector.broadcast %jit3A_254 : f32 to vector<256x4096xf32>
    %select_n3A_256 = arith.select %eq3A_253, %broadcast_in_dim3A_255, %get3A_233 : vector<256x4096xi1>, vector<256x4096xf32>
    %swap3A_257 = arith.constant 0 : index
    %swap3A_258 = arith.constant 0 : index
    %swap3A_259 = vector.load %arg7[%swap3A_257, %swap3A_258] : memref<256x4096xf32, #tpu.memory_space<vmem>>, vector<256x4096xf32>
    tpu.vector_store %arg7[%swap3A_257, %swap3A_258], %select_n3A_256 {strides = array<i32>} : memref<256x4096xf32, #tpu.memory_space<vmem>>, vector<256x4096xf32>,
    %get3A_260 = arith.constant 0 : index
    %get3A_261 = arith.constant 0 : index
    %get3A_262 = vector.load %arg7[%get3A_260, %get3A_261] : memref<256x4096xf32, #tpu.memory_space<vmem>>, vector<256x4096xf32>
    %reduce_min3A_263 = arith.constant dense<0x7F800000> : vector<256xf32>
    %reduce_min3A_264 = vector.multi_reduction <minimumf>, %get3A_262, %reduce_min3A_263 [1] : vector<256x4096xf32> to vector<256xf32>
    %broadcast_in_dim3A_265 = vector.shape_cast %reduce_min3A_264 : vector<256xf32> to vector<256x1xf32>
    %eq3A_266 = vector.broadcast %broadcast_in_dim3A_265 : vector<256x1xf32> to vector<256x4096xf32>
    %eq3A_267 = arith.cmpf oeq, %get3A_262, %eq3A_266 : vector<256x4096xf32>
    %jit3A_268 = arith.constant 1073741824 : i32
    %broadcast_in_dim3A_269 = vector.broadcast %jit3A_268 : i32 to vector<256x4096xi32>
    %select_n3A_270 = arith.select %eq3A_267, %iota3A, %broadcast_in_dim3A_269 : vector<256x4096xi1>, vector<256x4096xi32>
    %reduce_min3A_271 = arith.constant dense<2147483647> : vector<256xi32>
    %reduce_min3A_272 = vector.multi_reduction <minsi>, %select_n3A_270, %reduce_min3A_271 [1] : vector<256x4096xi32> to vector<256xi32>
    %broadcast_in_dim3A_273 = vector.shape_cast %reduce_min3A_272 : vector<256xi32> to vector<256x1xi32>
    %add3A_274 = vector.broadcast %mul3A_61 : i32 to vector<256x1xi32>
    %add3A_275 = arith.addi %broadcast_in_dim3A_273, %add3A_274 : vector<256x1xi32>
    %broadcast_in_dim3A_276 = vector.shape_cast %add3A_275 : vector<256x1xi32> to vector<1x256x1xi32>
    %swap3A_277 = arith.constant 0 : index
    %swap3A_278 = arith.constant 0 : index
    %swap3A_279 = arith.constant 7 : index
    %swap3A_280 = vector.load %arg6[%swap3A_277, %swap3A_278, %swap3A_279] : memref<1x256x16xi32, #tpu.memory_space<vmem>>, vector<1x256x1xi32>
    tpu.vector_store %arg6[%swap3A_277, %swap3A_278, %swap3A_279], %broadcast_in_dim3A_276 {strides = array<i32>} : memref<1x256x16xi32, #tpu.memory_space<vmem>>, vector<1x256x1xi32>,
    %eq3A_281 = vector.broadcast %broadcast_in_dim3A_273 : vector<256x1xi32> to vector<256x4096xi32>
    %eq3A_282 = arith.cmpi eq, %iota3A, %eq3A_281 : vector<256x4096xi32>
    %jit3A_283 = arith.constant 1.000000e+30 : f32
    %broadcast_in_dim3A_284 = vector.broadcast %jit3A_283 : f32 to vector<256x4096xf32>
    %select_n3A_285 = arith.select %eq3A_282, %broadcast_in_dim3A_284, %get3A_262 : vector<256x4096xi1>, vector<256x4096xf32>
    %swap3A_286 = arith.constant 0 : index
    %swap3A_287 = arith.constant 0 : index
    %swap3A_288 = vector.load %arg7[%swap3A_286, %swap3A_287] : memref<256x4096xf32, #tpu.memory_space<vmem>>, vector<256x4096xf32>
    tpu.vector_store %arg7[%swap3A_286, %swap3A_287], %select_n3A_285 {strides = array<i32>} : memref<256x4096xf32, #tpu.memory_space<vmem>>, vector<256x4096xf32>,
    %get3A_289 = arith.constant 0 : index
    %get3A_290 = arith.constant 0 : index
    %get3A_291 = vector.load %arg7[%get3A_289, %get3A_290] : memref<256x4096xf32, #tpu.memory_space<vmem>>, vector<256x4096xf32>
    %reduce_min3A_292 = arith.constant dense<0x7F800000> : vector<256xf32>
    %reduce_min3A_293 = vector.multi_reduction <minimumf>, %get3A_291, %reduce_min3A_292 [1] : vector<256x4096xf32> to vector<256xf32>
    %broadcast_in_dim3A_294 = vector.shape_cast %reduce_min3A_293 : vector<256xf32> to vector<256x1xf32>
    %eq3A_295 = vector.broadcast %broadcast_in_dim3A_294 : vector<256x1xf32> to vector<256x4096xf32>
    %eq3A_296 = arith.cmpf oeq, %get3A_291, %eq3A_295 : vector<256x4096xf32>
    %jit3A_297 = arith.constant 1073741824 : i32
    %broadcast_in_dim3A_298 = vector.broadcast %jit3A_297 : i32 to vector<256x4096xi32>
    %select_n3A_299 = arith.select %eq3A_296, %iota3A, %broadcast_in_dim3A_298 : vector<256x4096xi1>, vector<256x4096xi32>
    %reduce_min3A_300 = arith.constant dense<2147483647> : vector<256xi32>
    %reduce_min3A_301 = vector.multi_reduction <minsi>, %select_n3A_299, %reduce_min3A_300 [1] : vector<256x4096xi32> to vector<256xi32>
    %broadcast_in_dim3A_302 = vector.shape_cast %reduce_min3A_301 : vector<256xi32> to vector<256x1xi32>
    %add3A_303 = vector.broadcast %mul3A_61 : i32 to vector<256x1xi32>
    %add3A_304 = arith.addi %broadcast_in_dim3A_302, %add3A_303 : vector<256x1xi32>
    %broadcast_in_dim3A_305 = vector.shape_cast %add3A_304 : vector<256x1xi32> to vector<1x256x1xi32>
    %swap3A_306 = arith.constant 0 : index
    %swap3A_307 = arith.constant 0 : index
    %swap3A_308 = arith.constant 8 : index
    %swap3A_309 = vector.load %arg6[%swap3A_306, %swap3A_307, %swap3A_308] : memref<1x256x16xi32, #tpu.memory_space<vmem>>, vector<1x256x1xi32>
    tpu.vector_store %arg6[%swap3A_306, %swap3A_307, %swap3A_308], %broadcast_in_dim3A_305 {strides = array<i32>} : memref<1x256x16xi32, #tpu.memory_space<vmem>>, vector<1x256x1xi32>,
    %eq3A_310 = vector.broadcast %broadcast_in_dim3A_302 : vector<256x1xi32> to vector<256x4096xi32>
    %eq3A_311 = arith.cmpi eq, %iota3A, %eq3A_310 : vector<256x4096xi32>
    %jit3A_312 = arith.constant 1.000000e+30 : f32
    %broadcast_in_dim3A_313 = vector.broadcast %jit3A_312 : f32 to vector<256x4096xf32>
    %select_n3A_314 = arith.select %eq3A_311, %broadcast_in_dim3A_313, %get3A_291 : vector<256x4096xi1>, vector<256x4096xf32>
    %swap3A_315 = arith.constant 0 : index
    %swap3A_316 = arith.constant 0 : index
    %swap3A_317 = vector.load %arg7[%swap3A_315, %swap3A_316] : memref<256x4096xf32, #tpu.memory_space<vmem>>, vector<256x4096xf32>
    tpu.vector_store %arg7[%swap3A_315, %swap3A_316], %select_n3A_314 {strides = array<i32>} : memref<256x4096xf32, #tpu.memory_space<vmem>>, vector<256x4096xf32>,
    %get3A_318 = arith.constant 0 : index
    %get3A_319 = arith.constant 0 : index
    %get3A_320 = vector.load %arg7[%get3A_318, %get3A_319] : memref<256x4096xf32, #tpu.memory_space<vmem>>, vector<256x4096xf32>
    %reduce_min3A_321 = arith.constant dense<0x7F800000> : vector<256xf32>
    %reduce_min3A_322 = vector.multi_reduction <minimumf>, %get3A_320, %reduce_min3A_321 [1] : vector<256x4096xf32> to vector<256xf32>
    %broadcast_in_dim3A_323 = vector.shape_cast %reduce_min3A_322 : vector<256xf32> to vector<256x1xf32>
    %eq3A_324 = vector.broadcast %broadcast_in_dim3A_323 : vector<256x1xf32> to vector<256x4096xf32>
    %eq3A_325 = arith.cmpf oeq, %get3A_320, %eq3A_324 : vector<256x4096xf32>
    %jit3A_326 = arith.constant 1073741824 : i32
    %broadcast_in_dim3A_327 = vector.broadcast %jit3A_326 : i32 to vector<256x4096xi32>
    %select_n3A_328 = arith.select %eq3A_325, %iota3A, %broadcast_in_dim3A_327 : vector<256x4096xi1>, vector<256x4096xi32>
    %reduce_min3A_329 = arith.constant dense<2147483647> : vector<256xi32>
    %reduce_min3A_330 = vector.multi_reduction <minsi>, %select_n3A_328, %reduce_min3A_329 [1] : vector<256x4096xi32> to vector<256xi32>
    %broadcast_in_dim3A_331 = vector.shape_cast %reduce_min3A_330 : vector<256xi32> to vector<256x1xi32>
    %add3A_332 = vector.broadcast %mul3A_61 : i32 to vector<256x1xi32>
    %add3A_333 = arith.addi %broadcast_in_dim3A_331, %add3A_332 : vector<256x1xi32>
    %broadcast_in_dim3A_334 = vector.shape_cast %add3A_333 : vector<256x1xi32> to vector<1x256x1xi32>
    %swap3A_335 = arith.constant 0 : index
    %swap3A_336 = arith.constant 0 : index
    %swap3A_337 = arith.constant 9 : index
    %swap3A_338 = vector.load %arg6[%swap3A_335, %swap3A_336, %swap3A_337] : memref<1x256x16xi32, #tpu.memory_space<vmem>>, vector<1x256x1xi32>
    tpu.vector_store %arg6[%swap3A_335, %swap3A_336, %swap3A_337], %broadcast_in_dim3A_334 {strides = array<i32>} : memref<1x256x16xi32, #tpu.memory_space<vmem>>, vector<1x256x1xi32>,
    %eq3A_339 = vector.broadcast %broadcast_in_dim3A_331 : vector<256x1xi32> to vector<256x4096xi32>
    %eq3A_340 = arith.cmpi eq, %iota3A, %eq3A_339 : vector<256x4096xi32>
    %jit3A_341 = arith.constant 1.000000e+30 : f32
    %broadcast_in_dim3A_342 = vector.broadcast %jit3A_341 : f32 to vector<256x4096xf32>
    %select_n3A_343 = arith.select %eq3A_340, %broadcast_in_dim3A_342, %get3A_320 : vector<256x4096xi1>, vector<256x4096xf32>
    %swap3A_344 = arith.constant 0 : index
    %swap3A_345 = arith.constant 0 : index
    %swap3A_346 = vector.load %arg7[%swap3A_344, %swap3A_345] : memref<256x4096xf32, #tpu.memory_space<vmem>>, vector<256x4096xf32>
    tpu.vector_store %arg7[%swap3A_344, %swap3A_345], %select_n3A_343 {strides = array<i32>} : memref<256x4096xf32, #tpu.memory_space<vmem>>, vector<256x4096xf32>,
    %get3A_347 = arith.constant 0 : index
    %get3A_348 = arith.constant 0 : index
    %get3A_349 = vector.load %arg7[%get3A_347, %get3A_348] : memref<256x4096xf32, #tpu.memory_space<vmem>>, vector<256x4096xf32>
    %reduce_min3A_350 = arith.constant dense<0x7F800000> : vector<256xf32>
    %reduce_min3A_351 = vector.multi_reduction <minimumf>, %get3A_349, %reduce_min3A_350 [1] : vector<256x4096xf32> to vector<256xf32>
    %broadcast_in_dim3A_352 = vector.shape_cast %reduce_min3A_351 : vector<256xf32> to vector<256x1xf32>
    %eq3A_353 = vector.broadcast %broadcast_in_dim3A_352 : vector<256x1xf32> to vector<256x4096xf32>
    %eq3A_354 = arith.cmpf oeq, %get3A_349, %eq3A_353 : vector<256x4096xf32>
    %jit3A_355 = arith.constant 1073741824 : i32
    %broadcast_in_dim3A_356 = vector.broadcast %jit3A_355 : i32 to vector<256x4096xi32>
    %select_n3A_357 = arith.select %eq3A_354, %iota3A, %broadcast_in_dim3A_356 : vector<256x4096xi1>, vector<256x4096xi32>
    %reduce_min3A_358 = arith.constant dense<2147483647> : vector<256xi32>
    %reduce_min3A_359 = vector.multi_reduction <minsi>, %select_n3A_357, %reduce_min3A_358 [1] : vector<256x4096xi32> to vector<256xi32>
    %broadcast_in_dim3A_360 = vector.shape_cast %reduce_min3A_359 : vector<256xi32> to vector<256x1xi32>
    %add3A_361 = vector.broadcast %mul3A_61 : i32 to vector<256x1xi32>
    %add3A_362 = arith.addi %broadcast_in_dim3A_360, %add3A_361 : vector<256x1xi32>
    %broadcast_in_dim3A_363 = vector.shape_cast %add3A_362 : vector<256x1xi32> to vector<1x256x1xi32>
    %swap3A_364 = arith.constant 0 : index
    %swap3A_365 = arith.constant 0 : index
    %swap3A_366 = arith.constant 10 : index
    %swap3A_367 = vector.load %arg6[%swap3A_364, %swap3A_365, %swap3A_366] : memref<1x256x16xi32, #tpu.memory_space<vmem>>, vector<1x256x1xi32>
    tpu.vector_store %arg6[%swap3A_364, %swap3A_365, %swap3A_366], %broadcast_in_dim3A_363 {strides = array<i32>} : memref<1x256x16xi32, #tpu.memory_space<vmem>>, vector<1x256x1xi32>,
    %eq3A_368 = vector.broadcast %broadcast_in_dim3A_360 : vector<256x1xi32> to vector<256x4096xi32>
    %eq3A_369 = arith.cmpi eq, %iota3A, %eq3A_368 : vector<256x4096xi32>
    %jit3A_370 = arith.constant 1.000000e+30 : f32
    %broadcast_in_dim3A_371 = vector.broadcast %jit3A_370 : f32 to vector<256x4096xf32>
    %select_n3A_372 = arith.select %eq3A_369, %broadcast_in_dim3A_371, %get3A_349 : vector<256x4096xi1>, vector<256x4096xf32>
    %swap3A_373 = arith.constant 0 : index
    %swap3A_374 = arith.constant 0 : index
    %swap3A_375 = vector.load %arg7[%swap3A_373, %swap3A_374] : memref<256x4096xf32, #tpu.memory_space<vmem>>, vector<256x4096xf32>
    tpu.vector_store %arg7[%swap3A_373, %swap3A_374], %select_n3A_372 {strides = array<i32>} : memref<256x4096xf32, #tpu.memory_space<vmem>>, vector<256x4096xf32>,
    %get3A_376 = arith.constant 0 : index
    %get3A_377 = arith.constant 0 : index
    %get3A_378 = vector.load %arg7[%get3A_376, %get3A_377] : memref<256x4096xf32, #tpu.memory_space<vmem>>, vector<256x4096xf32>
    %reduce_min3A_379 = arith.constant dense<0x7F800000> : vector<256xf32>
    %reduce_min3A_380 = vector.multi_reduction <minimumf>, %get3A_378, %reduce_min3A_379 [1] : vector<256x4096xf32> to vector<256xf32>
    %broadcast_in_dim3A_381 = vector.shape_cast %reduce_min3A_380 : vector<256xf32> to vector<256x1xf32>
    %eq3A_382 = vector.broadcast %broadcast_in_dim3A_381 : vector<256x1xf32> to vector<256x4096xf32>
    %eq3A_383 = arith.cmpf oeq, %get3A_378, %eq3A_382 : vector<256x4096xf32>
    %jit3A_384 = arith.constant 1073741824 : i32
    %broadcast_in_dim3A_385 = vector.broadcast %jit3A_384 : i32 to vector<256x4096xi32>
    %select_n3A_386 = arith.select %eq3A_383, %iota3A, %broadcast_in_dim3A_385 : vector<256x4096xi1>, vector<256x4096xi32>
    %reduce_min3A_387 = arith.constant dense<2147483647> : vector<256xi32>
    %reduce_min3A_388 = vector.multi_reduction <minsi>, %select_n3A_386, %reduce_min3A_387 [1] : vector<256x4096xi32> to vector<256xi32>
    %broadcast_in_dim3A_389 = vector.shape_cast %reduce_min3A_388 : vector<256xi32> to vector<256x1xi32>
    %add3A_390 = vector.broadcast %mul3A_61 : i32 to vector<256x1xi32>
    %add3A_391 = arith.addi %broadcast_in_dim3A_389, %add3A_390 : vector<256x1xi32>
    %broadcast_in_dim3A_392 = vector.shape_cast %add3A_391 : vector<256x1xi32> to vector<1x256x1xi32>
    %swap3A_393 = arith.constant 0 : index
    %swap3A_394 = arith.constant 0 : index
    %swap3A_395 = arith.constant 11 : index
    %swap3A_396 = vector.load %arg6[%swap3A_393, %swap3A_394, %swap3A_395] : memref<1x256x16xi32, #tpu.memory_space<vmem>>, vector<1x256x1xi32>
    tpu.vector_store %arg6[%swap3A_393, %swap3A_394, %swap3A_395], %broadcast_in_dim3A_392 {strides = array<i32>} : memref<1x256x16xi32, #tpu.memory_space<vmem>>, vector<1x256x1xi32>,
    %eq3A_397 = vector.broadcast %broadcast_in_dim3A_389 : vector<256x1xi32> to vector<256x4096xi32>
    %eq3A_398 = arith.cmpi eq, %iota3A, %eq3A_397 : vector<256x4096xi32>
    %jit3A_399 = arith.constant 1.000000e+30 : f32
    %broadcast_in_dim3A_400 = vector.broadcast %jit3A_399 : f32 to vector<256x4096xf32>
    %select_n3A_401 = arith.select %eq3A_398, %broadcast_in_dim3A_400, %get3A_378 : vector<256x4096xi1>, vector<256x4096xf32>
    %swap3A_402 = arith.constant 0 : index
    %swap3A_403 = arith.constant 0 : index
    %swap3A_404 = vector.load %arg7[%swap3A_402, %swap3A_403] : memref<256x4096xf32, #tpu.memory_space<vmem>>, vector<256x4096xf32>
    tpu.vector_store %arg7[%swap3A_402, %swap3A_403], %select_n3A_401 {strides = array<i32>} : memref<256x4096xf32, #tpu.memory_space<vmem>>, vector<256x4096xf32>,
    %get3A_405 = arith.constant 0 : index
    %get3A_406 = arith.constant 0 : index
    %get3A_407 = vector.load %arg7[%get3A_405, %get3A_406] : memref<256x4096xf32, #tpu.memory_space<vmem>>, vector<256x4096xf32>
    %reduce_min3A_408 = arith.constant dense<0x7F800000> : vector<256xf32>
    %reduce_min3A_409 = vector.multi_reduction <minimumf>, %get3A_407, %reduce_min3A_408 [1] : vector<256x4096xf32> to vector<256xf32>
    %broadcast_in_dim3A_410 = vector.shape_cast %reduce_min3A_409 : vector<256xf32> to vector<256x1xf32>
    %eq3A_411 = vector.broadcast %broadcast_in_dim3A_410 : vector<256x1xf32> to vector<256x4096xf32>
    %eq3A_412 = arith.cmpf oeq, %get3A_407, %eq3A_411 : vector<256x4096xf32>
    %jit3A_413 = arith.constant 1073741824 : i32
    %broadcast_in_dim3A_414 = vector.broadcast %jit3A_413 : i32 to vector<256x4096xi32>
    %select_n3A_415 = arith.select %eq3A_412, %iota3A, %broadcast_in_dim3A_414 : vector<256x4096xi1>, vector<256x4096xi32>
    %reduce_min3A_416 = arith.constant dense<2147483647> : vector<256xi32>
    %reduce_min3A_417 = vector.multi_reduction <minsi>, %select_n3A_415, %reduce_min3A_416 [1] : vector<256x4096xi32> to vector<256xi32>
    %broadcast_in_dim3A_418 = vector.shape_cast %reduce_min3A_417 : vector<256xi32> to vector<256x1xi32>
    %add3A_419 = vector.broadcast %mul3A_61 : i32 to vector<256x1xi32>
    %add3A_420 = arith.addi %broadcast_in_dim3A_418, %add3A_419 : vector<256x1xi32>
    %broadcast_in_dim3A_421 = vector.shape_cast %add3A_420 : vector<256x1xi32> to vector<1x256x1xi32>
    %swap3A_422 = arith.constant 0 : index
    %swap3A_423 = arith.constant 0 : index
    %swap3A_424 = arith.constant 12 : index
    %swap3A_425 = vector.load %arg6[%swap3A_422, %swap3A_423, %swap3A_424] : memref<1x256x16xi32, #tpu.memory_space<vmem>>, vector<1x256x1xi32>
    tpu.vector_store %arg6[%swap3A_422, %swap3A_423, %swap3A_424], %broadcast_in_dim3A_421 {strides = array<i32>} : memref<1x256x16xi32, #tpu.memory_space<vmem>>, vector<1x256x1xi32>,
    %eq3A_426 = vector.broadcast %broadcast_in_dim3A_418 : vector<256x1xi32> to vector<256x4096xi32>
    %eq3A_427 = arith.cmpi eq, %iota3A, %eq3A_426 : vector<256x4096xi32>
    %jit3A_428 = arith.constant 1.000000e+30 : f32
    %broadcast_in_dim3A_429 = vector.broadcast %jit3A_428 : f32 to vector<256x4096xf32>
    %select_n3A_430 = arith.select %eq3A_427, %broadcast_in_dim3A_429, %get3A_407 : vector<256x4096xi1>, vector<256x4096xf32>
    %swap3A_431 = arith.constant 0 : index
    %swap3A_432 = arith.constant 0 : index
    %swap3A_433 = vector.load %arg7[%swap3A_431, %swap3A_432] : memref<256x4096xf32, #tpu.memory_space<vmem>>, vector<256x4096xf32>
    tpu.vector_store %arg7[%swap3A_431, %swap3A_432], %select_n3A_430 {strides = array<i32>} : memref<256x4096xf32, #tpu.memory_space<vmem>>, vector<256x4096xf32>,
    %get3A_434 = arith.constant 0 : index
    %get3A_435 = arith.constant 0 : index
    %get3A_436 = vector.load %arg7[%get3A_434, %get3A_435] : memref<256x4096xf32, #tpu.memory_space<vmem>>, vector<256x4096xf32>
    %reduce_min3A_437 = arith.constant dense<0x7F800000> : vector<256xf32>
    %reduce_min3A_438 = vector.multi_reduction <minimumf>, %get3A_436, %reduce_min3A_437 [1] : vector<256x4096xf32> to vector<256xf32>
    %broadcast_in_dim3A_439 = vector.shape_cast %reduce_min3A_438 : vector<256xf32> to vector<256x1xf32>
    %eq3A_440 = vector.broadcast %broadcast_in_dim3A_439 : vector<256x1xf32> to vector<256x4096xf32>
    %eq3A_441 = arith.cmpf oeq, %get3A_436, %eq3A_440 : vector<256x4096xf32>
    %jit3A_442 = arith.constant 1073741824 : i32
    %broadcast_in_dim3A_443 = vector.broadcast %jit3A_442 : i32 to vector<256x4096xi32>
    %select_n3A_444 = arith.select %eq3A_441, %iota3A, %broadcast_in_dim3A_443 : vector<256x4096xi1>, vector<256x4096xi32>
    %reduce_min3A_445 = arith.constant dense<2147483647> : vector<256xi32>
    %reduce_min3A_446 = vector.multi_reduction <minsi>, %select_n3A_444, %reduce_min3A_445 [1] : vector<256x4096xi32> to vector<256xi32>
    %broadcast_in_dim3A_447 = vector.shape_cast %reduce_min3A_446 : vector<256xi32> to vector<256x1xi32>
    %add3A_448 = vector.broadcast %mul3A_61 : i32 to vector<256x1xi32>
    %add3A_449 = arith.addi %broadcast_in_dim3A_447, %add3A_448 : vector<256x1xi32>
    %broadcast_in_dim3A_450 = vector.shape_cast %add3A_449 : vector<256x1xi32> to vector<1x256x1xi32>
    %swap3A_451 = arith.constant 0 : index
    %swap3A_452 = arith.constant 0 : index
    %swap3A_453 = arith.constant 13 : index
    %swap3A_454 = vector.load %arg6[%swap3A_451, %swap3A_452, %swap3A_453] : memref<1x256x16xi32, #tpu.memory_space<vmem>>, vector<1x256x1xi32>
    tpu.vector_store %arg6[%swap3A_451, %swap3A_452, %swap3A_453], %broadcast_in_dim3A_450 {strides = array<i32>} : memref<1x256x16xi32, #tpu.memory_space<vmem>>, vector<1x256x1xi32>,
    %eq3A_455 = vector.broadcast %broadcast_in_dim3A_447 : vector<256x1xi32> to vector<256x4096xi32>
    %eq3A_456 = arith.cmpi eq, %iota3A, %eq3A_455 : vector<256x4096xi32>
    %jit3A_457 = arith.constant 1.000000e+30 : f32
    %broadcast_in_dim3A_458 = vector.broadcast %jit3A_457 : f32 to vector<256x4096xf32>
    %select_n3A_459 = arith.select %eq3A_456, %broadcast_in_dim3A_458, %get3A_436 : vector<256x4096xi1>, vector<256x4096xf32>
    %swap3A_460 = arith.constant 0 : index
    %swap3A_461 = arith.constant 0 : index
    %swap3A_462 = vector.load %arg7[%swap3A_460, %swap3A_461] : memref<256x4096xf32, #tpu.memory_space<vmem>>, vector<256x4096xf32>
    tpu.vector_store %arg7[%swap3A_460, %swap3A_461], %select_n3A_459 {strides = array<i32>} : memref<256x4096xf32, #tpu.memory_space<vmem>>, vector<256x4096xf32>,
    %get3A_463 = arith.constant 0 : index
    %get3A_464 = arith.constant 0 : index
    %get3A_465 = vector.load %arg7[%get3A_463, %get3A_464] : memref<256x4096xf32, #tpu.memory_space<vmem>>, vector<256x4096xf32>
    %reduce_min3A_466 = arith.constant dense<0x7F800000> : vector<256xf32>
    %reduce_min3A_467 = vector.multi_reduction <minimumf>, %get3A_465, %reduce_min3A_466 [1] : vector<256x4096xf32> to vector<256xf32>
    %broadcast_in_dim3A_468 = vector.shape_cast %reduce_min3A_467 : vector<256xf32> to vector<256x1xf32>
    %eq3A_469 = vector.broadcast %broadcast_in_dim3A_468 : vector<256x1xf32> to vector<256x4096xf32>
    %eq3A_470 = arith.cmpf oeq, %get3A_465, %eq3A_469 : vector<256x4096xf32>
    %jit3A_471 = arith.constant 1073741824 : i32
    %broadcast_in_dim3A_472 = vector.broadcast %jit3A_471 : i32 to vector<256x4096xi32>
    %select_n3A_473 = arith.select %eq3A_470, %iota3A, %broadcast_in_dim3A_472 : vector<256x4096xi1>, vector<256x4096xi32>
    %reduce_min3A_474 = arith.constant dense<2147483647> : vector<256xi32>
    %reduce_min3A_475 = vector.multi_reduction <minsi>, %select_n3A_473, %reduce_min3A_474 [1] : vector<256x4096xi32> to vector<256xi32>
    %broadcast_in_dim3A_476 = vector.shape_cast %reduce_min3A_475 : vector<256xi32> to vector<256x1xi32>
    %add3A_477 = vector.broadcast %mul3A_61 : i32 to vector<256x1xi32>
    %add3A_478 = arith.addi %broadcast_in_dim3A_476, %add3A_477 : vector<256x1xi32>
    %broadcast_in_dim3A_479 = vector.shape_cast %add3A_478 : vector<256x1xi32> to vector<1x256x1xi32>
    %swap3A_480 = arith.constant 0 : index
    %swap3A_481 = arith.constant 0 : index
    %swap3A_482 = arith.constant 14 : index
    %swap3A_483 = vector.load %arg6[%swap3A_480, %swap3A_481, %swap3A_482] : memref<1x256x16xi32, #tpu.memory_space<vmem>>, vector<1x256x1xi32>
    tpu.vector_store %arg6[%swap3A_480, %swap3A_481, %swap3A_482], %broadcast_in_dim3A_479 {strides = array<i32>} : memref<1x256x16xi32, #tpu.memory_space<vmem>>, vector<1x256x1xi32>,
    %eq3A_484 = vector.broadcast %broadcast_in_dim3A_476 : vector<256x1xi32> to vector<256x4096xi32>
    %eq3A_485 = arith.cmpi eq, %iota3A, %eq3A_484 : vector<256x4096xi32>
    %jit3A_486 = arith.constant 1.000000e+30 : f32
    %broadcast_in_dim3A_487 = vector.broadcast %jit3A_486 : f32 to vector<256x4096xf32>
    %select_n3A_488 = arith.select %eq3A_485, %broadcast_in_dim3A_487, %get3A_465 : vector<256x4096xi1>, vector<256x4096xf32>
    %swap3A_489 = arith.constant 0 : index
    %swap3A_490 = arith.constant 0 : index
    %swap3A_491 = vector.load %arg7[%swap3A_489, %swap3A_490] : memref<256x4096xf32, #tpu.memory_space<vmem>>, vector<256x4096xf32>
    tpu.vector_store %arg7[%swap3A_489, %swap3A_490], %select_n3A_488 {strides = array<i32>} : memref<256x4096xf32, #tpu.memory_space<vmem>>, vector<256x4096xf32>,
    %get3A_492 = arith.constant 0 : index
    %get3A_493 = arith.constant 0 : index
    %get3A_494 = vector.load %arg7[%get3A_492, %get3A_493] : memref<256x4096xf32, #tpu.memory_space<vmem>>, vector<256x4096xf32>
    %reduce_min3A_495 = arith.constant dense<0x7F800000> : vector<256xf32>
    %reduce_min3A_496 = vector.multi_reduction <minimumf>, %get3A_494, %reduce_min3A_495 [1] : vector<256x4096xf32> to vector<256xf32>
    %broadcast_in_dim3A_497 = vector.shape_cast %reduce_min3A_496 : vector<256xf32> to vector<256x1xf32>
    %eq3A_498 = vector.broadcast %broadcast_in_dim3A_497 : vector<256x1xf32> to vector<256x4096xf32>
    %eq3A_499 = arith.cmpf oeq, %get3A_494, %eq3A_498 : vector<256x4096xf32>
    %jit3A_500 = arith.constant 1073741824 : i32
    %broadcast_in_dim3A_501 = vector.broadcast %jit3A_500 : i32 to vector<256x4096xi32>
    %select_n3A_502 = arith.select %eq3A_499, %iota3A, %broadcast_in_dim3A_501 : vector<256x4096xi1>, vector<256x4096xi32>
    %reduce_min3A_503 = arith.constant dense<2147483647> : vector<256xi32>
    %reduce_min3A_504 = vector.multi_reduction <minsi>, %select_n3A_502, %reduce_min3A_503 [1] : vector<256x4096xi32> to vector<256xi32>
    %broadcast_in_dim3A_505 = vector.shape_cast %reduce_min3A_504 : vector<256xi32> to vector<256x1xi32>
    %add3A_506 = vector.broadcast %mul3A_61 : i32 to vector<256x1xi32>
    %add3A_507 = arith.addi %broadcast_in_dim3A_505, %add3A_506 : vector<256x1xi32>
    %broadcast_in_dim3A_508 = vector.shape_cast %add3A_507 : vector<256x1xi32> to vector<1x256x1xi32>
    %swap3A_509 = arith.constant 0 : index
    %swap3A_510 = arith.constant 0 : index
    %swap3A_511 = arith.constant 15 : index
    %swap3A_512 = vector.load %arg6[%swap3A_509, %swap3A_510, %swap3A_511] : memref<1x256x16xi32, #tpu.memory_space<vmem>>, vector<1x256x1xi32>
    tpu.vector_store %arg6[%swap3A_509, %swap3A_510, %swap3A_511], %broadcast_in_dim3A_508 {strides = array<i32>} : memref<1x256x16xi32, #tpu.memory_space<vmem>>, vector<1x256x1xi32>,
    %eq3A_513 = vector.broadcast %broadcast_in_dim3A_505 : vector<256x1xi32> to vector<256x4096xi32>
    %eq3A_514 = arith.cmpi eq, %iota3A, %eq3A_513 : vector<256x4096xi32>
    %jit3A_515 = arith.constant 1.000000e+30 : f32
    %broadcast_in_dim3A_516 = vector.broadcast %jit3A_515 : f32 to vector<256x4096xf32>
    %select_n3A_517 = arith.select %eq3A_514, %broadcast_in_dim3A_516, %get3A_494 : vector<256x4096xi1>, vector<256x4096xf32>
    %swap3A_518 = arith.constant 0 : index
    %swap3A_519 = arith.constant 0 : index
    %swap3A_520 = vector.load %arg7[%swap3A_518, %swap3A_519] : memref<256x4096xf32, #tpu.memory_space<vmem>>, vector<256x4096xf32>
    tpu.vector_store %arg7[%swap3A_518, %swap3A_519], %select_n3A_517 {strides = array<i32>} : memref<256x4096xf32, #tpu.memory_space<vmem>>, vector<256x4096xf32>,
    return
  }
  func.func @transform_0(%arg0: i32, %arg1: i32) -> (i32, i32, i32) {
    %c0_i32 = arith.constant 0 : i32
    %c0_i32_0 = arith.constant 0 : i32
    %c0_i32_1 = arith.constant 0 : i32
    return %arg0, %c0_i32, %c0_i32_0 : i32, i32, i32
  }
  func.func @transform_1(%arg0: i32, %arg1: i32) -> (i32, i32, i32) {
    %c0_i32 = arith.constant 0 : i32
    %c0_i32_0 = arith.constant 0 : i32
    %c0_i32_1 = arith.constant 0 : i32
    return %arg0, %c0_i32, %c0_i32_0 : i32, i32, i32
  }
  func.func @transform_2(%arg0: i32, %arg1: i32) -> (i32, i32, i32) {
    %c0_i32 = arith.constant 0 : i32
    %c0_i32_0 = arith.constant 0 : i32
    %c0_i32_1 = arith.constant 0 : i32
    return %arg0, %c0_i32, %c0_i32_0 : i32, i32, i32
  }
  func.func @transform_3(%arg0: i32, %arg1: i32) -> (i32, i32, i32) {
    %c0_i32 = arith.constant 0 : i32
    %c0_i32_0 = arith.constant 0 : i32
    return %arg0, %arg1, %c0_i32 : i32, i32, i32
  }
  func.func @transform_4(%arg0: i32, %arg1: i32) -> (i32, i32, i32) {
    %c0_i32 = arith.constant 0 : i32
    %c0_i32_0 = arith.constant 0 : i32
    return %arg0, %arg1, %c0_i32 : i32, i32, i32
  }
}

module attributes {stable_mosaic.version = 14 : i64} {
  func.func @_mlp1_body(%arg0: i32, %arg1: memref<128x16x64xf32, #tpu.memory_space<vmem>>, %arg2: memref<128x3xf32, #tpu.memory_space<vmem>>, %arg3: memref<64x128xf32, #tpu.memory_space<vmem>>, %arg4: memref<1x128xf32, #tpu.memory_space<vmem>>, %arg5: memref<128x16x128xf32, #tpu.memory_space<vmem>>, %arg6: memref<1x128xf32, #tpu.memory_space<vmem>>, %arg7: memref<1x128xf32, #tpu.memory_space<vmem>>) attributes {dimension_semantics = [#tpu.dimension_semantics<arbitrary>], iteration_bounds = array<i64: 128>, scalar_prefetch = 0 : i64, scratch_operands = 0 : i64, tpu.core_type = #tpu.core_type<tc>, window_params = [{transform_indices = @transform_0, window_bounds = array<i64: 128, 16, 64>}, {transform_indices = @transform_1, window_bounds = array<i64: 128, 3>}, {pipeline_mode = #tpu.pipeline_mode<synchronous>, transform_indices = @transform_2, window_bounds = array<i64: 64, 128>}, {pipeline_mode = #tpu.pipeline_mode<synchronous>, transform_indices = @transform_3, window_bounds = array<i64: 1, 128>}, {transform_indices = @transform_4, window_bounds = array<i64: 128, 16, 128>}, {pipeline_mode = #tpu.pipeline_mode<synchronous>, transform_indices = @transform_5, window_bounds = array<i64: 1, 128>}, {pipeline_mode = #tpu.pipeline_mode<synchronous>, transform_indices = @transform_6, window_bounds = array<i64: 1, 128>}]} {
    %get3A = arith.constant 0 : index
    %get3A_0 = arith.constant 0 : index
    %get3A_1 = arith.constant 0 : index
    %get3A_2 = vector.load %arg1[%get3A, %get3A_0, %get3A_1] : memref<128x16x64xf32, #tpu.memory_space<vmem>>, vector<128x16x64xf32>
    %reshape3A = vector.shape_cast %get3A_2 : vector<128x16x64xf32> to vector<2048x64xf32>
    %get3A_3 = arith.constant 0 : index
    %get3A_4 = arith.constant 0 : index
    %get3A_5 = vector.load %arg3[%get3A_3, %get3A_4] : memref<64x128xf32, #tpu.memory_space<vmem>>, vector<64x128xf32>
    %dot_general3A = arith.constant dense<0.000000e+00> : vector<2048x128xf32>
    %dot_general3A_6 = tpu.matmul %reshape3A, %get3A_5, %dot_general3A {dimension_numbers = #tpu.dot_dimension_numbers<[1], [0], [0], [1], [0, 0, 1, 1], [], []>, precision = #tpu.contract_precision<fp32>, transpose_lhs_hint = false} : vector<2048x64xf32>, vector<64x128xf32>, vector<2048x128xf32> -> vector<2048x128xf32>
    %get3A_7 = arith.constant 0 : index
    %get3A_8 = arith.constant 0 : index
    %get3A_9 = vector.load %arg4[%get3A_7, %get3A_8] : memref<1x128xf32, #tpu.memory_space<vmem>>, vector<1x128xf32>
    %add3A = vector.broadcast %get3A_9 : vector<1x128xf32> to vector<2048x128xf32>
    %add3A_10 = arith.addf %dot_general3A_6, %add3A : vector<2048x128xf32>
    %get3A_11 = arith.constant 0 : index
    %get3A_12 = arith.constant 0 : index
    %get3A_13 = vector.load %arg2[%get3A_11, %get3A_12] : memref<128x3xf32, #tpu.memory_space<vmem>>, vector<128x3xf32>
    %get3A_14 = arith.constant 0 : index
    %get3A_15 = arith.constant 0 : index
    %get3A_16 = vector.load %arg3[%get3A_14, %get3A_15] : memref<64x128xf32, #tpu.memory_space<vmem>>, vector<3x128xf32>
    %dot_general3A_17 = arith.constant dense<0.000000e+00> : vector<128x128xf32>
    %dot_general3A_18 = tpu.matmul %get3A_13, %get3A_16, %dot_general3A_17 {dimension_numbers = #tpu.dot_dimension_numbers<[1], [0], [0], [1], [0, 0, 1, 1], [], []>, precision = #tpu.contract_precision<fp32>, transpose_lhs_hint = false} : vector<128x3xf32>, vector<3x128xf32>, vector<128x128xf32> -> vector<128x128xf32>
    %reshape3A_19 = vector.shape_cast %add3A_10 : vector<2048x128xf32> to vector<128x16x128xf32>
    %broadcast_in_dim3A = vector.shape_cast %dot_general3A_18 : vector<128x128xf32> to vector<128x1x128xf32>
    %sub3A = vector.broadcast %broadcast_in_dim3A : vector<128x1x128xf32> to vector<128x16x128xf32>
    %sub3A_20 = arith.subf %reshape3A_19, %sub3A : vector<128x16x128xf32>
    %reshape3A_21 = vector.shape_cast %sub3A_20 : vector<128x16x128xf32> to vector<2048x128xf32>
    %reshape3A_22 = vector.shape_cast %reshape3A_21 : vector<2048x128xf32> to vector<128x16x128xf32>
    %swap3A = arith.constant 0 : index
    %swap3A_23 = arith.constant 0 : index
    %swap3A_24 = arith.constant 0 : index
    %swap3A_25 = vector.load %arg5[%swap3A, %swap3A_23, %swap3A_24] : memref<128x16x128xf32, #tpu.memory_space<vmem>>, vector<128x16x128xf32>
    tpu.vector_store %arg5[%swap3A, %swap3A_23, %swap3A_24], %reshape3A_22 {strides = array<i32>} : memref<128x16x128xf32, #tpu.memory_space<vmem>>, vector<128x16x128xf32>,
    %reduce_sum3A = arith.constant dense<0.000000e+00> : vector<128xf32>
    %reduce_sum3A_26 = vector.multi_reduction <add>, %reshape3A_21, %reduce_sum3A [0] : vector<2048x128xf32> to vector<128xf32>
    %broadcast_in_dim3A_27 = vector.shape_cast %reduce_sum3A_26 : vector<128xf32> to vector<1x128xf32>
    %mul3A = arith.mulf %reshape3A_21, %reshape3A_21 : vector<2048x128xf32>
    %reduce_sum3A_28 = arith.constant dense<0.000000e+00> : vector<128xf32>
    %reduce_sum3A_29 = vector.multi_reduction <add>, %mul3A, %reduce_sum3A_28 [0] : vector<2048x128xf32> to vector<128xf32>
    %broadcast_in_dim3A_30 = vector.shape_cast %reduce_sum3A_29 : vector<128xf32> to vector<1x128xf32>
    %eq3A = arith.constant 0 : i32
    %eq3A_31 = arith.cmpi eq, %arg0, %eq3A : i32
    %convert_element_type3A = arith.extui %eq3A_31 : i1 to i32
    %cond3A = arith.constant 0 : i32
    %cond3A_32 = arith.cmpi ne, %convert_element_type3A, %cond3A : i32
    scf.if %cond3A_32 {
      %swap3A_37 = arith.constant 0 : index
      %swap3A_38 = arith.constant 0 : index
      %swap3A_39 = vector.load %arg6[%swap3A_37, %swap3A_38] : memref<1x128xf32, #tpu.memory_space<vmem>>, vector<1x128xf32>
      tpu.vector_store %arg6[%swap3A_37, %swap3A_38], %broadcast_in_dim3A_27 {strides = array<i32>} : memref<1x128xf32, #tpu.memory_space<vmem>>, vector<1x128xf32>,
      %swap3A_40 = arith.constant 0 : index
      %swap3A_41 = arith.constant 0 : index
      %swap3A_42 = vector.load %arg7[%swap3A_40, %swap3A_41] : memref<1x128xf32, #tpu.memory_space<vmem>>, vector<1x128xf32>
      tpu.vector_store %arg7[%swap3A_40, %swap3A_41], %broadcast_in_dim3A_30 {strides = array<i32>} : memref<1x128xf32, #tpu.memory_space<vmem>>, vector<1x128xf32>,
    } else {
    }
    %ne3A = arith.constant 0 : i32
    %ne3A_33 = arith.cmpi ne, %arg0, %ne3A : i32
    %convert_element_type3A_34 = arith.extui %ne3A_33 : i1 to i32
    %cond3A_35 = arith.constant 0 : i32
    %cond3A_36 = arith.cmpi ne, %convert_element_type3A_34, %cond3A_35 : i32
    scf.if %cond3A_36 {
      %get3A_37 = arith.constant 0 : index
      %get3A_38 = arith.constant 0 : index
      %get3A_39 = vector.load %arg6[%get3A_37, %get3A_38] : memref<1x128xf32, #tpu.memory_space<vmem>>, vector<1x128xf32>
      %add3A_40 = arith.addf %get3A_39, %broadcast_in_dim3A_27 : vector<1x128xf32>
      %swap3A_41 = arith.constant 0 : index
      %swap3A_42 = arith.constant 0 : index
      %swap3A_43 = vector.load %arg6[%swap3A_41, %swap3A_42] : memref<1x128xf32, #tpu.memory_space<vmem>>, vector<1x128xf32>
      tpu.vector_store %arg6[%swap3A_41, %swap3A_42], %add3A_40 {strides = array<i32>} : memref<1x128xf32, #tpu.memory_space<vmem>>, vector<1x128xf32>,
      %get3A_44 = arith.constant 0 : index
      %get3A_45 = arith.constant 0 : index
      %get3A_46 = vector.load %arg7[%get3A_44, %get3A_45] : memref<1x128xf32, #tpu.memory_space<vmem>>, vector<1x128xf32>
      %add3A_47 = arith.addf %get3A_46, %broadcast_in_dim3A_30 : vector<1x128xf32>
      %swap3A_48 = arith.constant 0 : index
      %swap3A_49 = arith.constant 0 : index
      %swap3A_50 = vector.load %arg7[%swap3A_48, %swap3A_49] : memref<1x128xf32, #tpu.memory_space<vmem>>, vector<1x128xf32>
      tpu.vector_store %arg7[%swap3A_48, %swap3A_49], %add3A_47 {strides = array<i32>} : memref<1x128xf32, #tpu.memory_space<vmem>>, vector<1x128xf32>,
    } else {
    }
    return
  }
  func.func @transform_0(%arg0: i32) -> (i32, i32, i32) {
    %c0_i32 = arith.constant 0 : i32
    %c0_i32_0 = arith.constant 0 : i32
    %c0_i32_1 = arith.constant 0 : i32
    return %arg0, %c0_i32, %c0_i32_0 : i32, i32, i32
  }
  func.func @transform_1(%arg0: i32) -> (i32, i32) {
    %c0_i32 = arith.constant 0 : i32
    %c0_i32_0 = arith.constant 0 : i32
    return %arg0, %c0_i32 : i32, i32
  }
  func.func @transform_2(%arg0: i32) -> (i32, i32) {
    %c0_i32 = arith.constant 0 : i32
    %c0_i32_0 = arith.constant 0 : i32
    %c0_i32_1 = arith.constant 0 : i32
    return %c0_i32, %c0_i32_0 : i32, i32
  }
  func.func @transform_3(%arg0: i32) -> (i32, i32) {
    %c0_i32 = arith.constant 0 : i32
    %c0_i32_0 = arith.constant 0 : i32
    %c0_i32_1 = arith.constant 0 : i32
    return %c0_i32, %c0_i32_0 : i32, i32
  }
  func.func @transform_4(%arg0: i32) -> (i32, i32, i32) {
    %c0_i32 = arith.constant 0 : i32
    %c0_i32_0 = arith.constant 0 : i32
    %c0_i32_1 = arith.constant 0 : i32
    return %arg0, %c0_i32, %c0_i32_0 : i32, i32, i32
  }
  func.func @transform_5(%arg0: i32) -> (i32, i32) {
    %c0_i32 = arith.constant 0 : i32
    %c0_i32_0 = arith.constant 0 : i32
    %c0_i32_1 = arith.constant 0 : i32
    return %c0_i32, %c0_i32_0 : i32, i32
  }
  func.func @transform_6(%arg0: i32) -> (i32, i32) {
    %c0_i32 = arith.constant 0 : i32
    %c0_i32_0 = arith.constant 0 : i32
    %c0_i32_1 = arith.constant 0 : i32
    return %c0_i32, %c0_i32_0 : i32, i32
  }
}

module attributes {stable_mosaic.version = 14 : i64} {
  func.func @_mlp2_body(%arg0: i32, %arg1: memref<128x16x128xf32, #tpu.memory_space<vmem>>, %arg2: memref<1x128xf32, #tpu.memory_space<vmem>>, %arg3: memref<1x128xf32, #tpu.memory_space<vmem>>, %arg4: memref<128x128xf32, #tpu.memory_space<vmem>>, %arg5: memref<1x128xf32, #tpu.memory_space<vmem>>, %arg6: memref<1x128xf32, #tpu.memory_space<vmem>>, %arg7: memref<1x128xf32, #tpu.memory_space<vmem>>, %arg8: memref<128x16x128xf32, #tpu.memory_space<vmem>>, %arg9: memref<1x128xf32, #tpu.memory_space<vmem>>, %arg10: memref<1x128xf32, #tpu.memory_space<vmem>>) attributes {dimension_semantics = [#tpu.dimension_semantics<arbitrary>], iteration_bounds = array<i64: 128>, scalar_prefetch = 0 : i64, scratch_operands = 0 : i64, tpu.core_type = #tpu.core_type<tc>, window_params = [{transform_indices = @transform_0, window_bounds = array<i64: 128, 16, 128>}, {pipeline_mode = #tpu.pipeline_mode<synchronous>, transform_indices = @transform_1, window_bounds = array<i64: 1, 128>}, {pipeline_mode = #tpu.pipeline_mode<synchronous>, transform_indices = @transform_2, window_bounds = array<i64: 1, 128>}, {pipeline_mode = #tpu.pipeline_mode<synchronous>, transform_indices = @transform_3, window_bounds = array<i64: 128, 128>}, {pipeline_mode = #tpu.pipeline_mode<synchronous>, transform_indices = @transform_4, window_bounds = array<i64: 1, 128>}, {pipeline_mode = #tpu.pipeline_mode<synchronous>, transform_indices = @transform_5, window_bounds = array<i64: 1, 128>}, {pipeline_mode = #tpu.pipeline_mode<synchronous>, transform_indices = @transform_6, window_bounds = array<i64: 1, 128>}, {transform_indices = @transform_7, window_bounds = array<i64: 128, 16, 128>}, {pipeline_mode = #tpu.pipeline_mode<synchronous>, transform_indices = @transform_8, window_bounds = array<i64: 1, 128>}, {pipeline_mode = #tpu.pipeline_mode<synchronous>, transform_indices = @transform_9, window_bounds = array<i64: 1, 128>}]} {
    %get3A = arith.constant 0 : index
    %get3A_0 = arith.constant 0 : index
    %get3A_1 = vector.load %arg2[%get3A, %get3A_0] : memref<1x128xf32, #tpu.memory_space<vmem>>, vector<1x128xf32>
    %mul3A = arith.constant 3.81469727E-6 : f32
    %mul3A_2 = vector.broadcast %mul3A : f32 to vector<1x128xf32>
    %mul3A_3 = arith.mulf %get3A_1, %mul3A_2 : vector<1x128xf32>
    %get3A_4 = arith.constant 0 : index
    %get3A_5 = arith.constant 0 : index
    %get3A_6 = vector.load %arg3[%get3A_4, %get3A_5] : memref<1x128xf32, #tpu.memory_space<vmem>>, vector<1x128xf32>
    %mul3A_7 = arith.constant 3.81469727E-6 : f32
    %mul3A_8 = vector.broadcast %mul3A_7 : f32 to vector<1x128xf32>
    %mul3A_9 = arith.mulf %get3A_6, %mul3A_8 : vector<1x128xf32>
    %mul3A_10 = arith.mulf %mul3A_3, %mul3A_3 : vector<1x128xf32>
    %sub3A = arith.subf %mul3A_9, %mul3A_10 : vector<1x128xf32>
    %get3A_11 = arith.constant 0 : index
    %get3A_12 = arith.constant 0 : index
    %get3A_13 = vector.load %arg6[%get3A_11, %get3A_12] : memref<1x128xf32, #tpu.memory_space<vmem>>, vector<1x128xf32>
    %add3A = arith.constant 9.99999974E-6 : f32
    %add3A_14 = vector.broadcast %add3A : f32 to vector<1x128xf32>
    %add3A_15 = arith.addf %sub3A, %add3A_14 : vector<1x128xf32>
    %rsqrt3A = math.rsqrt %add3A_15 : vector<1x128xf32>
    %mul3A_16 = arith.mulf %get3A_13, %rsqrt3A : vector<1x128xf32>
    %get3A_17 = arith.constant 0 : index
    %get3A_18 = arith.constant 0 : index
    %get3A_19 = vector.load %arg7[%get3A_17, %get3A_18] : memref<1x128xf32, #tpu.memory_space<vmem>>, vector<1x128xf32>
    %mul3A_20 = arith.mulf %mul3A_3, %mul3A_16 : vector<1x128xf32>
    %sub3A_21 = arith.subf %get3A_19, %mul3A_20 : vector<1x128xf32>
    %get3A_22 = arith.constant 0 : index
    %get3A_23 = arith.constant 0 : index
    %get3A_24 = arith.constant 0 : index
    %get3A_25 = vector.load %arg1[%get3A_22, %get3A_23, %get3A_24] : memref<128x16x128xf32, #tpu.memory_space<vmem>>, vector<128x16x128xf32>
    %reshape3A = vector.shape_cast %get3A_25 : vector<128x16x128xf32> to vector<2048x128xf32>
    %mul3A_26 = vector.broadcast %mul3A_16 : vector<1x128xf32> to vector<2048x128xf32>
    %mul3A_27 = arith.mulf %reshape3A, %mul3A_26 : vector<2048x128xf32>
    %add3A_28 = vector.broadcast %sub3A_21 : vector<1x128xf32> to vector<2048x128xf32>
    %add3A_29 = arith.addf %mul3A_27, %add3A_28 : vector<2048x128xf32>
    %max3A = arith.constant 0.000000e+00 : f32
    %max3A_30 = vector.broadcast %max3A : f32 to vector<2048x128xf32>
    %max3A_31 = arith.maximumf %add3A_29, %max3A_30 : vector<2048x128xf32>
    %get3A_32 = arith.constant 0 : index
    %get3A_33 = arith.constant 0 : index
    %get3A_34 = vector.load %arg4[%get3A_32, %get3A_33] : memref<128x128xf32, #tpu.memory_space<vmem>>, vector<128x128xf32>
    %dot_general3A = arith.constant dense<0.000000e+00> : vector<2048x128xf32>
    %dot_general3A_35 = tpu.matmul %max3A_31, %get3A_34, %dot_general3A {dimension_numbers = #tpu.dot_dimension_numbers<[1], [0], [0], [1], [0, 0, 1, 1], [], []>, precision = #tpu.contract_precision<fp32>, transpose_lhs_hint = false} : vector<2048x128xf32>, vector<128x128xf32>, vector<2048x128xf32> -> vector<2048x128xf32>
    %get3A_36 = arith.constant 0 : index
    %get3A_37 = arith.constant 0 : index
    %get3A_38 = vector.load %arg5[%get3A_36, %get3A_37] : memref<1x128xf32, #tpu.memory_space<vmem>>, vector<1x128xf32>
    %add3A_39 = vector.broadcast %get3A_38 : vector<1x128xf32> to vector<2048x128xf32>
    %add3A_40 = arith.addf %dot_general3A_35, %add3A_39 : vector<2048x128xf32>
    %reshape3A_41 = vector.shape_cast %add3A_40 : vector<2048x128xf32> to vector<128x16x128xf32>
    %swap3A = arith.constant 0 : index
    %swap3A_42 = arith.constant 0 : index
    %swap3A_43 = arith.constant 0 : index
    %swap3A_44 = vector.load %arg8[%swap3A, %swap3A_42, %swap3A_43] : memref<128x16x128xf32, #tpu.memory_space<vmem>>, vector<128x16x128xf32>
    tpu.vector_store %arg8[%swap3A, %swap3A_42, %swap3A_43], %reshape3A_41 {strides = array<i32>} : memref<128x16x128xf32, #tpu.memory_space<vmem>>, vector<128x16x128xf32>,
    %reduce_sum3A = arith.constant dense<0.000000e+00> : vector<128xf32>
    %reduce_sum3A_45 = vector.multi_reduction <add>, %add3A_40, %reduce_sum3A [0] : vector<2048x128xf32> to vector<128xf32>
    %broadcast_in_dim3A = vector.shape_cast %reduce_sum3A_45 : vector<128xf32> to vector<1x128xf32>
    %mul3A_46 = arith.mulf %add3A_40, %add3A_40 : vector<2048x128xf32>
    %reduce_sum3A_47 = arith.constant dense<0.000000e+00> : vector<128xf32>
    %reduce_sum3A_48 = vector.multi_reduction <add>, %mul3A_46, %reduce_sum3A_47 [0] : vector<2048x128xf32> to vector<128xf32>
    %broadcast_in_dim3A_49 = vector.shape_cast %reduce_sum3A_48 : vector<128xf32> to vector<1x128xf32>
    %eq3A = arith.constant 0 : i32
    %eq3A_50 = arith.cmpi eq, %arg0, %eq3A : i32
    %convert_element_type3A = arith.extui %eq3A_50 : i1 to i32
    %cond3A = arith.constant 0 : i32
    %cond3A_51 = arith.cmpi ne, %convert_element_type3A, %cond3A : i32
    scf.if %cond3A_51 {
      %swap3A_56 = arith.constant 0 : index
      %swap3A_57 = arith.constant 0 : index
      %swap3A_58 = vector.load %arg9[%swap3A_56, %swap3A_57] : memref<1x128xf32, #tpu.memory_space<vmem>>, vector<1x128xf32>
      tpu.vector_store %arg9[%swap3A_56, %swap3A_57], %broadcast_in_dim3A {strides = array<i32>} : memref<1x128xf32, #tpu.memory_space<vmem>>, vector<1x128xf32>,
      %swap3A_59 = arith.constant 0 : index
      %swap3A_60 = arith.constant 0 : index
      %swap3A_61 = vector.load %arg10[%swap3A_59, %swap3A_60] : memref<1x128xf32, #tpu.memory_space<vmem>>, vector<1x128xf32>
      tpu.vector_store %arg10[%swap3A_59, %swap3A_60], %broadcast_in_dim3A_49 {strides = array<i32>} : memref<1x128xf32, #tpu.memory_space<vmem>>, vector<1x128xf32>,
    } else {
    }
    %ne3A = arith.constant 0 : i32
    %ne3A_52 = arith.cmpi ne, %arg0, %ne3A : i32
    %convert_element_type3A_53 = arith.extui %ne3A_52 : i1 to i32
    %cond3A_54 = arith.constant 0 : i32
    %cond3A_55 = arith.cmpi ne, %convert_element_type3A_53, %cond3A_54 : i32
    scf.if %cond3A_55 {
      %get3A_56 = arith.constant 0 : index
      %get3A_57 = arith.constant 0 : index
      %get3A_58 = vector.load %arg9[%get3A_56, %get3A_57] : memref<1x128xf32, #tpu.memory_space<vmem>>, vector<1x128xf32>
      %add3A_59 = arith.addf %get3A_58, %broadcast_in_dim3A : vector<1x128xf32>
      %swap3A_60 = arith.constant 0 : index
      %swap3A_61 = arith.constant 0 : index
      %swap3A_62 = vector.load %arg9[%swap3A_60, %swap3A_61] : memref<1x128xf32, #tpu.memory_space<vmem>>, vector<1x128xf32>
      tpu.vector_store %arg9[%swap3A_60, %swap3A_61], %add3A_59 {strides = array<i32>} : memref<1x128xf32, #tpu.memory_space<vmem>>, vector<1x128xf32>,
      %get3A_63 = arith.constant 0 : index
      %get3A_64 = arith.constant 0 : index
      %get3A_65 = vector.load %arg10[%get3A_63, %get3A_64] : memref<1x128xf32, #tpu.memory_space<vmem>>, vector<1x128xf32>
      %add3A_66 = arith.addf %get3A_65, %broadcast_in_dim3A_49 : vector<1x128xf32>
      %swap3A_67 = arith.constant 0 : index
      %swap3A_68 = arith.constant 0 : index
      %swap3A_69 = vector.load %arg10[%swap3A_67, %swap3A_68] : memref<1x128xf32, #tpu.memory_space<vmem>>, vector<1x128xf32>
      tpu.vector_store %arg10[%swap3A_67, %swap3A_68], %add3A_66 {strides = array<i32>} : memref<1x128xf32, #tpu.memory_space<vmem>>, vector<1x128xf32>,
    } else {
    }
    return
  }
  func.func @transform_0(%arg0: i32) -> (i32, i32, i32) {
    %c0_i32 = arith.constant 0 : i32
    %c0_i32_0 = arith.constant 0 : i32
    %c0_i32_1 = arith.constant 0 : i32
    return %arg0, %c0_i32, %c0_i32_0 : i32, i32, i32
  }
  func.func @transform_1(%arg0: i32) -> (i32, i32) {
    %c0_i32 = arith.constant 0 : i32
    %c0_i32_0 = arith.constant 0 : i32
    %c0_i32_1 = arith.constant 0 : i32
    return %c0_i32, %c0_i32_0 : i32, i32
  }
  func.func @transform_2(%arg0: i32) -> (i32, i32) {
    %c0_i32 = arith.constant 0 : i32
    %c0_i32_0 = arith.constant 0 : i32
    %c0_i32_1 = arith.constant 0 : i32
    return %c0_i32, %c0_i32_0 : i32, i32
  }
  func.func @transform_3(%arg0: i32) -> (i32, i32) {
    %c0_i32 = arith.constant 0 : i32
    %c0_i32_0 = arith.constant 0 : i32
    %c0_i32_1 = arith.constant 0 : i32
    return %c0_i32, %c0_i32_0 : i32, i32
  }
  func.func @transform_4(%arg0: i32) -> (i32, i32) {
    %c0_i32 = arith.constant 0 : i32
    %c0_i32_0 = arith.constant 0 : i32
    %c0_i32_1 = arith.constant 0 : i32
    return %c0_i32, %c0_i32_0 : i32, i32
  }
  func.func @transform_5(%arg0: i32) -> (i32, i32) {
    %c0_i32 = arith.constant 0 : i32
    %c0_i32_0 = arith.constant 0 : i32
    %c0_i32_1 = arith.constant 0 : i32
    return %c0_i32, %c0_i32_0 : i32, i32
  }
  func.func @transform_6(%arg0: i32) -> (i32, i32) {
    %c0_i32 = arith.constant 0 : i32
    %c0_i32_0 = arith.constant 0 : i32
    %c0_i32_1 = arith.constant 0 : i32
    return %c0_i32, %c0_i32_0 : i32, i32
  }
  func.func @transform_7(%arg0: i32) -> (i32, i32, i32) {
    %c0_i32 = arith.constant 0 : i32
    %c0_i32_0 = arith.constant 0 : i32
    %c0_i32_1 = arith.constant 0 : i32
    return %arg0, %c0_i32, %c0_i32_0 : i32, i32, i32
  }
  func.func @transform_8(%arg0: i32) -> (i32, i32) {
    %c0_i32 = arith.constant 0 : i32
    %c0_i32_0 = arith.constant 0 : i32
    %c0_i32_1 = arith.constant 0 : i32
    return %c0_i32, %c0_i32_0 : i32, i32
  }
  func.func @transform_9(%arg0: i32) -> (i32, i32) {
    %c0_i32 = arith.constant 0 : i32
    %c0_i32_0 = arith.constant 0 : i32
    %c0_i32_1 = arith.constant 0 : i32
    return %c0_i32, %c0_i32_0 : i32, i32
  }
}

module attributes {stable_mosaic.version = 14 : i64} {
  func.func @_mlp3_body(%arg0: i32, %arg1: memref<128x16x128xf32, #tpu.memory_space<vmem>>, %arg2: memref<1x128xf32, #tpu.memory_space<vmem>>, %arg3: memref<1x128xf32, #tpu.memory_space<vmem>>, %arg4: memref<1x128xf32, #tpu.memory_space<vmem>>, %arg5: memref<1x128xf32, #tpu.memory_space<vmem>>, %arg6: memref<128x128xf32, #tpu.memory_space<vmem>>) attributes {dimension_semantics = [#tpu.dimension_semantics<arbitrary>], iteration_bounds = array<i64: 128>, scalar_prefetch = 0 : i64, scratch_operands = 0 : i64, tpu.core_type = #tpu.core_type<tc>, window_params = [{transform_indices = @transform_0, window_bounds = array<i64: 128, 16, 128>}, {pipeline_mode = #tpu.pipeline_mode<synchronous>, transform_indices = @transform_1, window_bounds = array<i64: 1, 128>}, {pipeline_mode = #tpu.pipeline_mode<synchronous>, transform_indices = @transform_2, window_bounds = array<i64: 1, 128>}, {pipeline_mode = #tpu.pipeline_mode<synchronous>, transform_indices = @transform_3, window_bounds = array<i64: 1, 128>}, {pipeline_mode = #tpu.pipeline_mode<synchronous>, transform_indices = @transform_4, window_bounds = array<i64: 1, 128>}, {transform_indices = @transform_5, window_bounds = array<i64: 128, 128>}]} {
    %get3A = arith.constant 0 : index
    %get3A_0 = arith.constant 0 : index
    %get3A_1 = vector.load %arg2[%get3A, %get3A_0] : memref<1x128xf32, #tpu.memory_space<vmem>>, vector<1x128xf32>
    %mul3A = arith.constant 3.81469727E-6 : f32
    %mul3A_2 = vector.broadcast %mul3A : f32 to vector<1x128xf32>
    %mul3A_3 = arith.mulf %get3A_1, %mul3A_2 : vector<1x128xf32>
    %get3A_4 = arith.constant 0 : index
    %get3A_5 = arith.constant 0 : index
    %get3A_6 = vector.load %arg3[%get3A_4, %get3A_5] : memref<1x128xf32, #tpu.memory_space<vmem>>, vector<1x128xf32>
    %mul3A_7 = arith.constant 3.81469727E-6 : f32
    %mul3A_8 = vector.broadcast %mul3A_7 : f32 to vector<1x128xf32>
    %mul3A_9 = arith.mulf %get3A_6, %mul3A_8 : vector<1x128xf32>
    %mul3A_10 = arith.mulf %mul3A_3, %mul3A_3 : vector<1x128xf32>
    %sub3A = arith.subf %mul3A_9, %mul3A_10 : vector<1x128xf32>
    %get3A_11 = arith.constant 0 : index
    %get3A_12 = arith.constant 0 : index
    %get3A_13 = vector.load %arg4[%get3A_11, %get3A_12] : memref<1x128xf32, #tpu.memory_space<vmem>>, vector<1x128xf32>
    %add3A = arith.constant 9.99999974E-6 : f32
    %add3A_14 = vector.broadcast %add3A : f32 to vector<1x128xf32>
    %add3A_15 = arith.addf %sub3A, %add3A_14 : vector<1x128xf32>
    %rsqrt3A = math.rsqrt %add3A_15 : vector<1x128xf32>
    %mul3A_16 = arith.mulf %get3A_13, %rsqrt3A : vector<1x128xf32>
    %get3A_17 = arith.constant 0 : index
    %get3A_18 = arith.constant 0 : index
    %get3A_19 = vector.load %arg5[%get3A_17, %get3A_18] : memref<1x128xf32, #tpu.memory_space<vmem>>, vector<1x128xf32>
    %mul3A_20 = arith.mulf %mul3A_3, %mul3A_16 : vector<1x128xf32>
    %sub3A_21 = arith.subf %get3A_19, %mul3A_20 : vector<1x128xf32>
    %get3A_22 = arith.constant 0 : index
    %get3A_23 = arith.constant 0 : index
    %get3A_24 = arith.constant 0 : index
    %get3A_25 = vector.load %arg1[%get3A_22, %get3A_23, %get3A_24] : memref<128x16x128xf32, #tpu.memory_space<vmem>>, vector<128x16x128xf32>
    %broadcast_in_dim3A = vector.shape_cast %mul3A_16 : vector<1x128xf32> to vector<1x1x128xf32>
    %mul3A_26 = vector.broadcast %broadcast_in_dim3A : vector<1x1x128xf32> to vector<128x16x128xf32>
    %mul3A_27 = arith.mulf %get3A_25, %mul3A_26 : vector<128x16x128xf32>
    %broadcast_in_dim3A_28 = vector.shape_cast %sub3A_21 : vector<1x128xf32> to vector<1x1x128xf32>
    %add3A_29 = vector.broadcast %broadcast_in_dim3A_28 : vector<1x1x128xf32> to vector<128x16x128xf32>
    %add3A_30 = arith.addf %mul3A_27, %add3A_29 : vector<128x16x128xf32>
    %max3A = arith.constant 0.000000e+00 : f32
    %max3A_31 = vector.broadcast %max3A : f32 to vector<128x16x128xf32>
    %max3A_32 = arith.maximumf %add3A_30, %max3A_31 : vector<128x16x128xf32>
    %reduce_max3A = arith.constant dense<0xFF800000> : vector<128x128xf32>
    %reduce_max3A_33 = vector.multi_reduction <maximumf>, %max3A_32, %reduce_max3A [1] : vector<128x16x128xf32> to vector<128x128xf32>
    %swap3A = arith.constant 0 : index
    %swap3A_34 = arith.constant 0 : index
    %swap3A_35 = vector.load %arg6[%swap3A, %swap3A_34] : memref<128x128xf32, #tpu.memory_space<vmem>>, vector<128x128xf32>
    tpu.vector_store %arg6[%swap3A, %swap3A_34], %reduce_max3A_33 {strides = array<i32>} : memref<128x128xf32, #tpu.memory_space<vmem>>, vector<128x128xf32>,
    return
  }
  func.func @transform_0(%arg0: i32) -> (i32, i32, i32) {
    %c0_i32 = arith.constant 0 : i32
    %c0_i32_0 = arith.constant 0 : i32
    %c0_i32_1 = arith.constant 0 : i32
    return %arg0, %c0_i32, %c0_i32_0 : i32, i32, i32
  }
  func.func @transform_1(%arg0: i32) -> (i32, i32) {
    %c0_i32 = arith.constant 0 : i32
    %c0_i32_0 = arith.constant 0 : i32
    %c0_i32_1 = arith.constant 0 : i32
    return %c0_i32, %c0_i32_0 : i32, i32
  }
  func.func @transform_2(%arg0: i32) -> (i32, i32) {
    %c0_i32 = arith.constant 0 : i32
    %c0_i32_0 = arith.constant 0 : i32
    %c0_i32_1 = arith.constant 0 : i32
    return %c0_i32, %c0_i32_0 : i32, i32
  }
  func.func @transform_3(%arg0: i32) -> (i32, i32) {
    %c0_i32 = arith.constant 0 : i32
    %c0_i32_0 = arith.constant 0 : i32
    %c0_i32_1 = arith.constant 0 : i32
    return %c0_i32, %c0_i32_0 : i32, i32
  }
  func.func @transform_4(%arg0: i32) -> (i32, i32) {
    %c0_i32 = arith.constant 0 : i32
    %c0_i32_0 = arith.constant 0 : i32
    %c0_i32_1 = arith.constant 0 : i32
    return %c0_i32, %c0_i32_0 : i32, i32
  }
  func.func @transform_5(%arg0: i32) -> (i32, i32) {
    %c0_i32 = arith.constant 0 : i32
    %c0_i32_0 = arith.constant 0 : i32
    return %arg0, %c0_i32 : i32, i32
  }
}

</mosaic_0001>

<sc_bundles>
// kernel: kernel.8.cloned.1.call-start
scs
__scs_entry_jumppad:
0x0: {  	(pc) =	sbr.rel $0x88, $3  }
0x1: {  	(tag) =	ssettag $0x0;
	lr =	simm.s32 $0x1  }
0x2: {  	[smem:$0x3F97] =	sst lr;
	_ =	strace $0xD0000000  }
0x3: {  	_ = 	snop  }
0x4: {  	_ = 	snop  }
0x5: {  	_ = 	snop  }
0x6: {  	_ = 	snop  }
0x7: {  	_ = 	snop  }
__scs_overlays_trampoline_lowered:
0x8: {  	[smem:$0x3FA6] =	sst s0  }
0x9: {  	[smem:$0x3FA7] =	sst s1  }
0xa: {  	[smem:$0x3FA8] =	sst s2  }
0xb: {  	[smem:$0x3FA9] =	sst s3  }
0xc: {  	[smem:$0x3FAA] =	sst s4  }
0xd: {  	[smem:$0x3FAB] =	sst s5  }
0xe: {  	[smem:$0x3FAC] =	sst s6  }
0xf: {  	[smem:$0x3FAD] =	sst s7  }
0x10: {  	[smem:$0x3FAE] =	sst s8  }
0x11: {  	[smem:$0x3FAF] =	sst s9;
	s0 =	simm.s32 @!p0 $0x0  }
0x12: {  	s1 =	sld [smem:$0x3F95];
	s0 =	simm.s32 @p0 $0x1  }
0x13: {  	[smem:$0x3FB0] =	sst s0;
	s0 =	simm.s32 @!p1 $0x0  }
0x14: {  	s2 =	sld [smem:$0x3F94];
	s0 =	simm.s32 @p1 $0x1  }
0x15: {  	[smem:$0x3FB1] =	sst s0;
	s0 =	simm.s32 @!p2 $0x0  }
0x16: {  	s3 =	sld [smem:$0x3FDB];
	s0 =	simm.s32 @p2 $0x1  }
0x17: {  	s4 =	simm.s32 $0x1BF5;
	[smem:$0x3FB3] =	sst s0  }
0x18: {  	s0 =	sld [smem:$0x3F96];
	_ =	swait.ge [sflag:s4], $0x0  }
0x19: {  	s7 =	sld [smem:$0x3F97]  }
0x1a: {  	s8 =	sadd.s32 $0xFFFFE003, lr  }
0x1b: {  	s9 =	sadd.s32 $0xFFFFFEF7, lr;
	s5 =	simm.s32 $0xFFFFFFFF;
	p2 =	slt.u32 s8, $0xFFFFF086  }
0x1c: {  	p1 =	slt.u32 s9, $0xF7A;
	s5 =	simm.s32 @!p2 $0x0  }
0x1d: {  	s5 =	simm.s32 @p1 $0x1;
	p0 =	seq.s32 s7, s2  }
0x1e: {  	s7 =	smul.u32 @!p0 $0xF7A, s2;
	p2 =	seq.s32 @!p0 s5, $0x0  }
0x1f: {  	s9 =	smul.u32 $0xF7A, s1;
	s8 =	simm.s32 @!p0 $0x1BF5;
	p2 =	por !p2, p0  }
0x20: {  	[sflag:s8] =	ssyncset.s32 @!p0 $0xFFFFF086;
	s6 =	sadd.s32 @!p0 s3, s7;
	s7 =	simm.s32 @!p0 $0x108  }
0x21: {  	s3 =	sadd.s32 s3, s9;
	s6 =	sadd.s32 @!p0 $0x88, s6;
	s7 =	simm.s32 @p2 $0x1082  }
0x22: {  	[simem:s7], [sflag:s8] =	dma.local @!p0 [hbm:s6], $0xF7A  }
0x23: {  	s9 =	sor.u32 $0xD0000000, s2;
	s6 =	simm.s32 $0x108;
	_ =	swait.ge @!p0 [sflag:s8], $0x0  }
0x24: {  	s3 =	sadd.s32 $0x88, s3;
	s6 =	simm.s32 @!p1 $0x1082;
	[sflag:s4] =	ssyncset.s32 $0xFFFFF086  }
0x25: {  	[simem:s6], [sflag:s4] =	dma.local [hbm:s3], $0xF7A  }
0x26: {  	[smem:$0x3F97] =	sst s1;
	(tag) =	ssettag s2;
	_ =	strace s9  }
0x27: {  	s1 =	sld [smem:$0x3FA7]  }
0x28: {  	s2 =	sld [smem:$0x3FA8]  }
0x29: {  	s4 =	sld [smem:$0x3FAA]  }
0x2a: {  	p0 =	seq.s32 s5, $0x0;
	s5 =	sld [smem:$0x3FAB]  }
0x2b: {  	s6 =	sld [smem:$0x3FAC]  }
0x2c: {  	s7 =	sld [smem:$0x3FAD]  }
0x2d: {  	s3 =	simm.s32 $0x108;
	s8 =	sld [smem:$0x3FAE]  }
0x2e: {  	s3 =	simm.s32 @!p0 $0x1082;
	s9 =	sld [smem:$0x3FAF]  }
0x2f: {  	lr =	sadd.s32 s0, s3;
	s0 =	sld [smem:$0x3FA6]  }
0x30: {  	s3 =	sld [smem:$0x3FA9]  }
0x31: {  	[smem:$0x3FB2] =	sst s10  }
0x32: {  	s10 =	sld [smem:$0x3FB0];
	_ =	sdelay $0x3  }
0x33: {  	p0 =	seq.s32 s10, $0x1;
	s10 =	sld [smem:$0x3FB2];
	_ =	sdelay $0x3  }
0x34: {  	[smem:$0x3FB2] =	sst s10  }
0x35: {  	s10 =	sld [smem:$0x3FB1];
	_ =	sdelay $0x3  }
0x36: {  	p1 =	seq.s32 s10, $0x1;
	s10 =	sld [smem:$0x3FB2];
	_ =	sdelay $0x3  }
0x37: {  	[smem:$0x3FB2] =	sst s10  }
0x38: {  	s10 =	sld [smem:$0x3FB3]  }
0x39: {  	_ = 	snop;
	(pc) =	sbr.ind lr, $3  }
0x3a: {  	_ = 	snop  }
0x3b: {  	_ = 	snop  }
0x3c: {  	p2 =	seq.s32 s10, $0x1;
	s10 =	sld [smem:$0x3FB2]  }
0x3d: {  	_ =	shalt  }
0x3e: {  	_ =	shalt  }
0x3f: {  	_ =	shalt  }
0x40: {  	_ =	shalt  }
0x41: {  	_ =	shalt  }
0x42: {  	_ =	shalt  }
0x43: {  	_ =	shalt  }
0x44: {  	_ =	shalt  }
0x45: {  	_ =	shalt  }
0x46: {  	_ =	shalt  }
0x47: {  	_ =	shalt  }
0x48: {  	_ =	shalt  }
0x49: {  	_ =	shalt  }
0x4a: {  	_ =	shalt  }
0x4b: {  	_ =	shalt  }
0x4c: {  	_ =	shalt  }
0x4d: {  	_ =	shalt  }
0x4e: {  	_ =	shalt  }
0x4f: {  	_ =	shalt  }
0x50: {  	_ =	shalt  }
0x51: {  	_ =	shalt  }
0x52: {  	_ =	shalt  }
0x53: {  	_ =	shalt  }
0x54: {  	_ =	shalt  }
0x55: {  	_ =	shalt  }
0x56: {  	_ =	shalt  }
0x57: {  	_ =	shalt  }
0x58: {  	_ =	shalt  }
0x59: {  	_ =	shalt  }
0x5a: {  	_ =	shalt  }
0x5b: {  	_ =	shalt  }
0x5c: {  	_ =	shalt  }
0x5d: {  	_ =	shalt  }
0x5e: {  	_ =	shalt  }
0x5f: {  	_ =	shalt  }
0x60: {  	_ =	shalt  }
0x61: {  	_ =	shalt  }
0x62: {  	_ =	shalt  }
0x63: {  	_ =	shalt  }
0x64: {  	_ =	shalt  }
0x65: {  	_ =	shalt  }
0x66: {  	_ =	shalt  }
0x67: {  	_ =	shalt  }
0x68: {  	_ =	shalt  }
0x69: {  	_ =	shalt  }
0x6a: {  	_ =	shalt  }
0x6b: {  	_ =	shalt  }
0x6c: {  	_ =	shalt  }
0x6d: {  	_ =	shalt  }
0x6e: {  	_ =	shalt  }
0x6f: {  	_ =	shalt  }
0x70: {  	_ =	shalt  }
0x71: {  	_ =	shalt  }
0x72: {  	_ =	shalt  }
0x73: {  	_ =	shalt  }
0x74: {  	_ =	shalt  }
0x75: {  	_ =	shalt  }
0x76: {  	_ =	shalt  }
0x77: {  	_ =	shalt  }
0x78: {  	_ =	shalt  }
0x79: {  	_ =	shalt  }
0x7a: {  	_ =	shalt  }
0x7b: {  	_ =	shalt  }
0x7c: {  	_ =	shalt  }
0x7d: {  	_ =	shalt  }
0x7e: {  	_ =	shalt  }
0x7f: {  	_ =	shalt  }
0x80: {  	_ =	shalt  }
0x81: {  	_ =	shalt  }
0x82: {  	_ =	shalt  }
0x83: {  	_ =	shalt  }
0x84: {  	_ =	shalt  }
0x85: {  	_ =	shalt  }
0x86: {  	_ =	shalt  }
0x87: {  	_ =	shalt  }
.Lfunc_end0:
.L_simem_size_0:
called_computation_lowered:
.L_overlay_start_0:
0x88: {  	s2 =	sld [smem:$0x3FD9]  }
0x89: {  	s3 =	sld [smem:$0x3FFE];
	_ =	sdelay $0x1  }
0x8a: {  	s1 =	srdreg.scid  }
0x8b: {  	s0 =	sand.u32 $0x1, s1  }
0x8c: {  	s14 =	sshll.u32 s0, $0xA;
	s2 =	sadd.s32 s3, s2  }
0x8d: {  	s2 =	sadd.s32 s2, s14  }
0x8e: {  	[smem:$0x3FBE] =	sst s2  }
0x8f: {  	_ = 	snop  }
0x90: {  	s2 =	sld [smem:$0x3FD0];
	_ =	sdelay $0x2  }
0x91: {  	s15 =	simm.s32 $0xA;
	s4 =	simm.s32 $0x10  }
0x92: {  	[smem:s4], [sflag:s15] =	dma.local [hbm:s2], $0x1  }
0x93: {  	_ =	swait.eq [sflag:s15], $0x1  }
0x94: {  	[sflag:s15] =	ssyncset.done $0x0  }
0x95: {  	[sflag:s15] =	ssyncadd.s32 $0xFFFFFFFF  }
0x96: {  	s16 =	sld [smem:$0x11];
	(tm) =	ssettm $0x1  }
0x97: {  	s17 =	sld [smem:$0x3FFB];
	_ =	sdelay $0x3  }
0x98: {  	_ =	strace s17  }
0x99: {  	s3 =	sld [smem:$0x3FFC];
	_ =	sdelay $0x3  }
0x9a: {  	_ =	strace s3  }
0x9b: {  	s3 =	sld [smem:$0x3FFD];
	_ =	sdelay $0x3  }
0x9c: {  	_ =	strace s3  }
0x9d: {  	_ =	strace $0x8FFFFFFF  }
0x9e: {  	s18 =	sld [smem:$0x3FDB];
	_ =	sdelay $0x1  }
0x9f: {  	s19 =	simm.s32 $_scs_section_size  }
0xa0: {  	s5 =	simm.s32 $_size__tile_overlayer_lowered;
	s6 =	simm.s32 $_tile_overlayer_lowered  }
0xa1: {  	s22 =	simm.s32 $0x1BFF;
	s21 =	sshll.u32 s6, $0x1;
	s3 =	sadd.s32 s19, s18  }
0xa2: {  	s7 =	simm.s32 $0x0;
	s20 =	sshll.u32 s5, $0x1;
	s5 =	sadd.s32 s21, s3  }
0xa3: {  	[timem:s7], [sflag:s22] =	dma.local [hbm:s5], s20  }
0xa4: {  	_ =	swait.ge [sflag:s22], s20  }
0xa5: {  	s4 =	ssub.s32 $0x0, s20;
	[sflag:s22] =	ssyncset.done $0x0  }
0xa6: {  	[sflag:s22] =	ssyncadd.s32 s4;
	_ =	sdelay $0x1  }
0xa7: {  	s23 =	simm.s32 $0x1B8B  }
0xa8: {  	_ =	swait.ge [sflag:s23], $0x1  }
0xa9: {  	[sflag:s23] =	ssyncset.done $0x0  }
0xaa: {  	s25 =	simm.s32 $0x1B8E;
	s24 =	sld [smem:$0x3FFE];
	[sflag:s23] =	ssyncadd.s32 $0xFFFFFFFF  }
0xab: {  	s26 =	simm.s32 $execute0_lowered;
	[smem:$0x3FD2] =	sst s25  }
0xac: {  	s5 =	sshll.u32 s26, $0x1;
	_ =	strace $0x80000046;
	[dreg:$0x1] =	wrdreg $0xFFFFFFFF  }
0xad: {  	s28 =	simm.s32 $_size_execute0_lowered;
	s3 =	sadd.s32 s3, s5;
	[dreg:$0x0] =	wrdreg $0x0  }
0xae: {  	s5 =	sshll.u32 s28, $0x1;
	[dreg:$0x2] =	wrdreg s3  }
0xaf: {  	[dreg:$0x3] =	wrdreg s5  }
0xb0: {  	[dreg:$0x4] =	wrdreg $0xC0  }
0xb1: {  	_ =	task [dreg:s7], $0x5FFFF  }
0xb2: {  	[dreg:$0x1] =	wrdreg $0xFFFFFFFF  }
0xb3: {  	[dreg:$0x0] =	wrdreg $0x60  }
0xb4: {  	[dreg:$0x2] =	wrdreg s16  }
0xb5: {  	[dreg:$0x3] =	wrdreg s24  }
0xb6: {  	[dreg:$0x4] =	wrdreg $0x9  }
0xb7: {  	_ =	task.clear_ibuf [dreg:s7], $0x5FFFF;
	_ =	strace $0x90000046  }
0xb8: {  	s29 =	simm.s32 $0x9;
	_ =	strace $0x80000048  }
0xb9: {  	_ =	swait.ge [sflag:s29], $0x1  }
0xba: {  	[sflag:s29] =	ssyncadd.s32 $0xFFFFFFFF  }
0xbb: {  	_ =	strace $0x90000048  }
0xbc: {  	_ =	sfence  }
0xbd: {  	s30 =	sld [smem:$0x0];
	_ =	sdelay $0x2  }
0xbe: {  	s31 =	sshll.u32 s1, $0xD;
	s1 =	sshrl.u32 s1, $0x2  }
0xbf: {  	s3 =	sand.u32 $0x4000, s31;
	s1 =	sadd.s32 s1, s30  }
0xc0: {  	s0 =	sor.u32 s3, s0;
	s1 =	sshll.u32 s1, $0x11  }
0xc1: {  	s0 =	sor.u32 s1, s0  }
0xc2: {  	s0 =	sadd.s32 $0x8F2B, s0  }
0xc3: {  	[sflag:s0] =	ssyncadd.remote.s32 $0x1  }
0xc4: {  	_ =	sfence.sel $0xFFFF  }
0xc5: {  	[dreg:$0x0] =	wrdreg $0xFFFFFFFF;
	(pc) =	sbr.abs _section_cstart, $3  }
0xc6: {  	[dreg:$0x1] =	wrdreg $0xFFFFFFFF  }
0xc7: {  	_ =	task.clear_ibuf [dreg:s7], $0x2FFFF;
	_ =	strace $0x9FFFFFFF  }
0xc8: {  	(tm) =	ssettm $0x7FFFFFFF  }
0xc9: {  	_ =	shalt  }
tec
execute0_lowered:
.L_overlay_start_1:
0x0: {  	(tag) =	ssettag $0x1  }
0x1: {  	s4 =	rddreg [dreg:$0x0]  }
0x2: {  	s5 =	rddreg [dreg:$0x1]  }
0x3: {  	s0 =	rddreg [dreg:$0x2]  }
0x4: {  	s2 =	simm.s32 $0x0;
	s3 =	srdreg.scid;
	s1 =	stileid.u32  }
0x5: {  	s11 =	simm.s32 $0x80;
	s12 =	simm.s32 $0x4000;
	s13 =	simm.s32 $0x1  }
0x6: {  	s14 =	simm.s32 $0x2;
	s15 =	simm.s32 $0x1F80;
	s16 =	simm.s32 $0x0  }
0x7: {  	[smem:$0x7FF] =	sst s2;
	s8 =	sand.u32 $0x1, s3;
	s3 =	sadd.s32 $0x103000, s5  }
0x8: {  	s6 =	sshll.u32 s1, $0xE;
	s9 =	sadd.s32 $0x183000, s5;
	s31 =	sshll.u32 s1, $0x11  }
0x9: {  	_ =	strace $0x80000047;
	s7 =	sshll.u32 s8, $0xD;
	s28 =	ssub.s32 $0x2, s8  }
0xa: {  	s8 =	sshll.u32 s8, $0x10;
	s6 =	sor.u32 s7, s6;
	s29 =	sshrl.u32 s28, $0x1  }
0xb: {  	s10 =	sshrl.u32 s6, $0x3;
	s6 =	sshll.u32 s6, $0x3;
	s5 =	ssub.s32 s28, s29  }
0xc: {  	s4 =	sadd.s32 s4, s10;
	s30 =	sadd.s32 s9, s6;
	s5 =	smax.u32 s5, $0x1  }
0xd: {  	s9 =	sadd.s32 s31, s9;
	s10 =	simm.s32 $0x2000;
	s6 =	sadd.s32 $0xF800, s30  }
0xe: {  	s7 =	sadd.s32 $0xFC00, s30;
	s8 =	sadd.s32 s8, s9;
	s9 =	simm.s32 $0x3  }
.LBB2_1:
0xf: {  	[tilespmem:s2], [sflag:$0x3] =	stream.linear.gather [hbm4b:s4+s2], $0x2000, $0x38;
	[tilespmem:$0x6000] =	vst v63  }
0x10: {  	_ =	swait.ge [sflag:s9], $0x2000  }
0x11: {  	[sflag:s9] =	ssyncset.done $0x0  }
0x12: {  	[sflag:s9] =	ssyncadd.s32 $0xFFFFE000  }
0x13: {  	[tilespmem:s10], [sflag:$0x1] =	stream.indirect.gather [hbm4b:s3+s11], $0x40, s2, s11, $0xb8;
	[tilespmem:$0x6000] =	vst v63  }
0x14: {  	_ = 	snop  }
0x15: {  	[tilespmem:s12], [sflag:$0x2] =	stream.indirect.gather [hbm4b:s3+s11], $0x40, s11, s11, $0xb8;
	[tilespmem:$0x6000] =	vst v63  }
0x16: {  	_ =	swait.ge [sflag:s13], $0x2000  }
0x17: {  	[sflag:s13] =	ssyncset.done $0x0  }
0x18: {  	s17 =	sadd.s32 $0x0, s8;
	[sflag:s13] =	ssyncadd.s32 $0xFFFFE000  }
0x19: {  	[hbm4b:s17+s2] =	stream.linear.scatter [tilespmem:s10], [sflag:$0x3], $0x2000, $0x38;
	[tilespmem:$0x6000] =	vst v63  }
0x1a: {  	_ =	swait.ge [sflag:s9], $0x2000  }
0x1b: {  	[sflag:s9] =	ssyncset.done $0x0  }
0x1c: {  	s18 =	simm.s32 $0x100;
	[sflag:s9] =	ssyncadd.s32 $0xFFFFE000  }
0x1d: {  	[tilespmem:s10], [sflag:$0x1] =	stream.indirect.gather [hbm4b:s3+s11], $0x40, s18, s11, $0xb8;
	[tilespmem:$0x6000] =	vst v63  }
0x1e: {  	_ =	swait.ge [sflag:s14], $0x2000  }
0x1f: {  	[sflag:s14] =	ssyncset.done $0x0  }
0x20: {  	s17 =	sadd.s32 $0x400, s17;
	[sflag:s14] =	ssyncadd.s32 $0xFFFFE000  }
0x21: {  	[hbm4b:s17+s2] =	stream.linear.scatter [tilespmem:s12], [sflag:$0x3], $0x2000, $0x38;
	[tilespmem:$0x6000] =	vst v63  }
0x22: {  	_ =	swait.ge [sflag:s9], $0x2000  }
0x23: {  	s18 =	simm.s32 $0x80;
	s17 =	simm.s32 $0x800;
	[sflag:s9] =	ssyncset.done $0x0  }
.LBB2_2:
0x24: {  	p0 =	sne.s32 s17, $0xF000;
	[sflag:s9] =	ssyncadd.s32 $0xFFFFE000;
	s18 =	sadd.s32 $0x100, s18  }
0x25: {  	[tilespmem:s12], [sflag:$0x2] =	stream.indirect.gather [hbm4b:s3+s11], $0x40, s18, s11, $0xb8;
	[tilespmem:$0x6000] =	vst v63  }
0x26: {  	s19 =	smov.u32 s17;
	s17 =	sadd.s32 $0x800, s17;
	_ =	swait.ge [sflag:s13], $0x2000  }
0x27: {  	[sflag:s13] =	ssyncset.done $0x0  }
0x28: {  	s19 =	sadd.s32 s19, s8;
	[sflag:s13] =	ssyncadd.s32 $0xFFFFE000  }
0x29: {  	[hbm4b:s19+s2] =	stream.linear.scatter [tilespmem:s10], [sflag:$0x3], $0x2000, $0x38;
	[tilespmem:$0x6000] =	vst v63  }
0x2a: {  	_ =	swait.ge [sflag:s9], $0x2000  }
0x2b: {  	[sflag:s9] =	ssyncset.done $0x0  }
0x2c: {  	s20 =	sadd.s32 $0x80, s18;
	[sflag:s9] =	ssyncadd.s32 $0xFFFFE000  }
0x2d: {  	[tilespmem:s10], [sflag:$0x1] =	stream.indirect.gather [hbm4b:s3+s11], $0x40, s20, s11, $0xb8;
	[tilespmem:$0x6000] =	vst v63  }
0x2e: {  	_ =	swait.ge [sflag:s14], $0x2000  }
.Ltmp0:
0x2f: {  	[sflag:s14] =	ssyncset.done $0x0;
	(pc) =	sbr.rel @p0 .LBB2_2-.Ltmp0, $4  }
0x30: {  	s19 =	sadd.s32 $0x400, s19;
	[sflag:s14] =	ssyncadd.s32 $0xFFFFE000  }
0x31: {  	[hbm4b:s19+s2] =	stream.linear.scatter [tilespmem:s12], [sflag:$0x3], $0x2000, $0x38;
	[tilespmem:$0x6000] =	vst v63  }
0x32: {  	_ =	swait.ge [sflag:s9], $0x2000  }
0x33: {  	[sflag:s9] =	ssyncset.done $0x0  }
0x34: {  	[sflag:s9] =	ssyncadd.s32 $0xFFFFE000  }
0x35: {  	[tilespmem:s12], [sflag:$0x2] =	stream.indirect.gather [hbm4b:s3+s11], $0x40, s15, s11, $0xb8;
	[tilespmem:$0x6000] =	vst v63  }
0x36: {  	_ =	swait.ge [sflag:s13], $0x2000  }
0x37: {  	[sflag:s13] =	ssyncset.done $0x0  }
0x38: {  	[sflag:s13] =	ssyncadd.s32 $0xFFFFE000  }
0x39: {  	[hbm4b:s6+s2] =	stream.linear.scatter [tilespmem:s10], [sflag:$0x3], $0x2000, $0x38;
	[tilespmem:$0x6000] =	vst v63  }
0x3a: {  	_ =	swait.ge [sflag:s9], $0x2000  }
0x3b: {  	[sflag:s9] =	ssyncset.done $0x0  }
0x3c: {  	[sflag:s9] =	ssyncadd.s32 $0xFFFFE000  }
0x3d: {  	s16 =	sadd.s32 $0x1, s16;
	_ =	swait.ge [sflag:s14], $0x2000  }
0x3e: {  	p0 =	sne.s32 s16, s5;
	[sflag:s14] =	ssyncset.done $0x0  }
.Ltmp1:
0x3f: {  	[sflag:s14] =	ssyncadd.s32 $0xFFFFE000;
	(pc) =	sbr.rel @p0 .LBB2_1-.Ltmp1, $4  }
0x40: {  	[hbm4b:s7+s2] =	stream.linear.scatter [tilespmem:s12], [sflag:$0x3], $0x2000, $0x38;
	[tilespmem:$0x6000] =	vst v63  }
0x41: {  	_ =	swait.ge [sflag:s9], $0x2000  }
0x42: {  	[sflag:s9] =	ssyncset.done $0x0  }
0x43: {  	[sflag:s9] =	ssyncadd.s32 $0xFFFFE000  }
0x44: {  	_ =	sfence.sel $0x180000  }
0x45: {  	[bflag:$0x0] =	sbarrier.arrive $0xFFFF  }
0x46: {  	p0 =	sne.s32 s1, $0x0;
	_ =	strace $0x90000047  }
0x47: {  	s0 =	sadd.s32 @!p0 $0x100000, s0;
	[bflag:$0x2] =	sbarrier.arrive $0xFFFF  }
0x48: {  	[sflag:s0] =	ssyncadd.tile.s32 @!p0 $0x1;
	_ =	shalt  }
.Lfunc_end2:
_tile_overlayer_lowered:
.L_overlay_start_2:
0x49: {  	(tag) =	ssettag $0x2  }
0x4a: {  	s0 =	rddreg [dreg:$0x0];
	s2 =	stileid.u32  }
0x4b: {  	s1 =	rddreg [dreg:$0x1];
	p0 =	sne.s32 s2, $0x0  }
0x4c: {  	s3 =	rddreg [dreg:$0x2];
	[bflag:$0x3] =	sbarrier.arrive $0xFFFF;
	s2 =	simm.s32 @!p0 $0x1C03  }
0x4d: {  	[timem:s3], [sflag:s2] =	dma.local @!p0 [hbm:s0], s1  }
0x4e: {  	s0 =	simm.s32 @!p0 $0x3  }
0x4f: {  	_ =	swait.ge @!p0 [sflag:s0], s1  }
0x50: {  	s1 =	ssub.s32 @!p0 $0x0, s1;
	[sflag:s0] =	ssyncset.done @!p0 $0x0  }
0x51: {  	[sflag:s0] =	ssyncadd.s32 @!p0 s1  }
0x52: {  	[bflag:$0x3] =	sbarrier.arrive $0xFFFF  }
0x53: {  	_ =	shalt  }

</sc_bundles>
